<compile_context>
chip_gen: v7x
topology: tpu7x:2x2x1
jax: 0.10.2.dev20260603
libtpu: 0.0.44.dev20260713+nightly
codegen_flags: <defaults>
</compile_context>

<pallas_src>
import functools

import jax
import jax.numpy as jnp
from jax import lax
from jax.experimental import pallas as pl
from jax.experimental.pallas import tpu as pltpu
from jax.experimental.pallas import tpu_sc as plsc

NC = 2
NS = 16
NW = NC * NS
L = 16
CH = 128


def _sc_mesh():
    return plsc.VectorSubcoreMesh(core_axis_name="c", subcore_axis_name="s",
                                  num_cores=NC, num_subcores=NS)


def _make_deg_kernel(ept, n16):

    @functools.partial(
        pl.kernel,
        out_type=jax.ShapeDtypeStruct((NW, n16), jnp.float32),
        mesh=_sc_mesh(),
        scratch_types=[
            pltpu.VMEM((ept,), jnp.int32),
            pltpu.VMEM((n16,), jnp.float32),
        ],
        compiler_params=pltpu.CompilerParams(needs_layout_passes=False),
    )
    def deg_kernel(dst_hbm, deg_out, dst_v, deg_v):
        c = lax.axis_index("c")
        s = lax.axis_index("s")
        t = c * NS + s
        pltpu.sync_copy(dst_hbm.at[t], dst_v)

        zeros = jnp.zeros((L,), jnp.float32)

        @pl.loop(0, n16 // L)
        def _(i):
            deg_v[pl.ds(i * L, L)] = zeros

        ones = jnp.ones((L,), jnp.float32)

        @pl.loop(0, ept // L)
        def _(i):
            idx = dst_v[pl.ds(i * L, L)]
            plsc.addupdate_scatter(deg_v, [idx], ones)

        pltpu.sync_copy(deg_v, deg_out.at[t])

    return deg_kernel


def _make_scale_kernel(n16, d):

    def body(xp_ref, degp_ref, g_ref, dis_ref):
        deg = 1.0 + jnp.sum(degp_ref[...], axis=0)
        dis = lax.rsqrt(deg)
        dis_ref[...] = dis[:, None]
        g_ref[...] = xp_ref[...] * dis[:, None]

    return pl.pallas_call(
        body,
        out_shape=(
            jax.ShapeDtypeStruct((n16, d), jnp.float32),
            jax.ShapeDtypeStruct((n16, 1), jnp.float32),
        ),
    )


def _make_scatter_kernel(nchunk, n16, n, d):
    G = 16
    zr = n16 // NS

    @functools.partial(
        pl.kernel,
        out_type=jax.ShapeDtypeStruct((1, n16, d), jnp.float32),
        mesh=_sc_mesh(),
        scratch_types=[
            pltpu.VMEM((2 * G, CH), jnp.int32),
            pltpu.VMEM((2 * G, CH), jnp.int32),
            pltpu.VMEM((CH, d), jnp.float32),
            pltpu.VMEM((CH, d), jnp.float32),
            pltpu.VMEM_SHARED((n16, d), jnp.float32),
            pltpu.SemaphoreType.DMA,
            pltpu.SemaphoreType.DMA,
            pltpu.SemaphoreType.DMA,
            pltpu.SemaphoreType.DMA,
            pltpu.SemaphoreType.DMA,
        ],
    )
    def scatter_kernel(g_hbm, src_hbm, dst_hbm, zero_hbm, acc_out,
                       src_v, dst_v, buf0, buf1, acc_sh,
                       gsem0, gsem1, ssem0, ssem1, semi):
        ng = nchunk // G
        c = lax.axis_index("c")
        s = lax.axis_index("s")
        bufs = (buf0, buf1)
        gsems = (gsem0, gsem1)
        ssems = (ssem0, ssem1)

        def chunk_of(j):
            return lax.rem(j // G, 2), lax.rem(j, G)

        @pl.when(c == 0)
        def _():
            pltpu.sync_copy(src_hbm.at[s, 0], src_v.at[pl.ds(0, G)])
            pltpu.sync_copy(dst_hbm.at[s, 0], dst_v.at[pl.ds(0, G)])
            pltpu.async_copy(g_hbm.at[src_v.at[0]], bufs[0], gsems[0])
            pltpu.sync_copy(zero_hbm.at[pl.ds(s * zr, zr)],
                            acc_sh.at[pl.ds(s * zr, zr)])

        plsc.subcore_barrier()

        @pl.when(c == 0)
        def _():
            @pl.loop(0, nchunk // 2)
            def _(i):
                for b in range(2):
                    j = i * 2 + b
                    nb = 1 - b
                    gi = j // G
                    jj = lax.rem(j, G)
                    cur = lax.rem(gi, 2)
                    nxt = 1 - cur
                    gn = jnp.minimum(gi + 1, ng - 1)

                    @pl.when(jj == 0)
                    def _():
                        pltpu.async_copy(src_hbm.at[s, gn],
                                         src_v.at[pl.ds(nxt * G, G)], semi)
                        pltpu.async_copy(dst_hbm.at[s, gn],
                                         dst_v.at[pl.ds(nxt * G, G)], semi)

                    @pl.when(jj == G - 1)
                    def _():
                        pltpu.make_async_copy(
                            src_hbm.at[s, gn],
                            src_v.at[pl.ds(nxt * G, G)], semi).wait()
                        pltpu.make_async_copy(
                            dst_hbm.at[s, gn],
                            dst_v.at[pl.ds(nxt * G, G)], semi).wait()

                    pltpu.make_async_copy(
                        g_hbm.at[src_v.at[cur * G + jj]], bufs[b],
                        gsems[b]).wait()
                    pltpu.async_copy(
                        bufs[b], acc_sh.at[dst_v.at[cur * G + jj]],
                        ssems[b], add=True)

                    jp = jnp.maximum(j - 1, 0)
                    cp, jjp = chunk_of(jp)

                    @pl.when(j >= 1)
                    def _():
                        pltpu.make_async_copy(
                            bufs[nb], acc_sh.at[dst_v.at[cp * G + jjp]],
                            ssems[nb]).wait()

                    kn = jnp.minimum(j + 1, nchunk - 1)
                    ck, kk = chunk_of(kn)
                    pltpu.async_copy(
                        g_hbm.at[src_v.at[ck * G + kk]], bufs[nb],
                        gsems[nb])

            bl = (nchunk - 1) % 2
            pltpu.make_async_copy(
                bufs[bl], acc_sh.at[dst_v.at[0]], ssems[bl]).wait()
            pltpu.make_async_copy(
                g_hbm.at[src_v.at[0]], bufs[1 - bl], gsems[1 - bl]).wait()

        plsc.subcore_barrier()

        @pl.when(c == 0)
        def _():
            pltpu.sync_copy(acc_sh.at[pl.ds(s * zr, zr)],
                            acc_out.at[0, pl.ds(s * zr, zr)])

    return scatter_kernel


def _make_final_kernel(n, n16, d, rb):

    def body(acc_ref, g_ref, dis_ref, w_ref, b_ref, out_ref):
        t = acc_ref[0] + g_ref[...]
        t = t * dis_ref[...]
        out_ref[...] = (
            jnp.dot(t, w_ref[...], preferred_element_type=jnp.float32)
            + b_ref[0, :]
        )

    return pl.pallas_call(
        body,
        grid=(n // rb,),
        in_specs=[
            pl.BlockSpec((1, rb, d), lambda i: (0, i, 0)),
            pl.BlockSpec((rb, d), lambda i: (i, 0)),
            pl.BlockSpec((rb, 1), lambda i: (i, 0)),
            pl.BlockSpec((d, d), lambda i: (0, 0)),
            pl.BlockSpec((1, d), lambda i: (0, 0)),
        ],
        out_specs=pl.BlockSpec((rb, d), lambda i: (i, 0)),
        out_shape=jax.ShapeDtypeStruct((n, d), jnp.float32),
    )


def kernel(x, edge_index, W, b):
    n, d = x.shape
    e = edge_index.shape[1]

    nchunk = -(-e // (NS * CH))
    if nchunk % 16:
        nchunk += 16 - nchunk % 16
    e_pad = NS * nchunk * CH
    n16 = -(-(n + 1) // (NS * 8)) * (NS * 8)

    src = edge_index[0]
    dst = edge_index[1]
    pad = jnp.full((e_pad - e,), n, dtype=jnp.int32)
    src_p = jnp.concatenate([src, pad]).reshape(NS, nchunk // 16, 16, CH)
    dst_p = jnp.concatenate([dst, pad]).reshape(NS, nchunk // 16, 16, CH)

    x_p = jnp.zeros((n16, d), x.dtype).at[:n].set(x)

    deg_parts = _make_deg_kernel(e_pad // NW, n16)(dst_p.reshape(NW, -1))
    g, dis = _make_scale_kernel(n16, d)(x_p, deg_parts)
    zeros = jnp.zeros((n16, d), jnp.float32)
    accs = _make_scatter_kernel(nchunk, n16, n, d)(g, src_p, dst_p, zeros)
    rb = 2000 if n % 2000 == 0 else n
    out = _make_final_kernel(n, n16, d, rb)(accs, g, dis, W, b.reshape(1, d))
    return out

# --- scband reference (transcript-rebuilt; emitter-appended) ---
"""Pipeline reference for scband-linear-encoder-18863496364200 (READ-ONLY COPY).

The authoritative reference and input builder live on the scoring server;
editing this copy changes nothing except your own understanding.
"""

import jax, jax.numpy as jnp
import numpy as np

N = 10000
E = 320000
D_IN = 128
D_OUT = 128


def setup_inputs(seed: int = 0) -> dict:
    key = jax.random.key(seed)
    k1, k2, k3 = jax.random.split(key, 3)
    x = jax.random.normal(k1, (N, D_IN), dtype=jnp.float32)
    edge_index = jax.random.randint(k2, (2, E), 0, N, dtype=jnp.int32)
    # GCNConv linear weight (glorot-style init) and zero bias
    W = jax.random.normal(k3, (D_IN, D_OUT), dtype=jnp.float32) * (1.0 / np.sqrt(D_IN))
    b = jnp.zeros((D_OUT,), dtype=jnp.float32)
    return {"x": x, "edge_index": edge_index, "W": W, "b": b}


def reference(x, edge_index, W, b):
    # Faithful GCNConv: add self-loops, symmetric normalization D^-1/2 A D^-1/2,
    # linear transform, scatter-add aggregation, bias.
    n = x.shape[0]
    loop = jnp.arange(n, dtype=edge_index.dtype)
    src = jnp.concatenate([edge_index[0], loop])
    dst = jnp.concatenate([edge_index[1], loop])
    ones = jnp.ones(src.shape[0], dtype=x.dtype)
    deg = jax.ops.segment_sum(ones, dst, num_segments=n)
    deg_inv_sqrt = jnp.where(deg > 0, 1.0 / jnp.sqrt(deg), 0.0)
    norm = deg_inv_sqrt[src] * deg_inv_sqrt[dst]
    h = x @ W
    msg = h[src] * norm[:, None]
    out = jax.ops.segment_sum(msg, dst, num_segments=n) + b
    return out

if __name__ == "__main__":
    import jax
    _d = setup_inputs()
    print(jax.jit(kernel)(*tuple(_d.values())))

</pallas_src>

<mosaic_0001>
#map = affine_map<(d0, d1) -> (0, 0)>
#map1 = affine_map<(d0, d1) -> (0, 0, 0, 0)>
#map2 = affine_map<(d0, d1) -> (0, 0, 0)>
module attributes {stable_mosaic.version = 14 : i64} {
  func.func @scatter_kernel(%arg0: i32, %arg1: i32, %arg2: memref<10112x128xf32, #tpu.memory_space<hbm>>, %arg3: memref<16x10x16x128xi32, #tpu.memory_space<hbm>>, %arg4: memref<16x10x16x128xi32, #tpu.memory_space<hbm>>, %arg5: memref<10112x128xf32, #tpu.memory_space<hbm>>, %arg6: memref<1x10112x128xf32, #tpu.memory_space<hbm>>, %arg7: memref<32x128xi32, #tpu.memory_space<vmem>>, %arg8: memref<32x128xi32, #tpu.memory_space<vmem>>, %arg9: memref<128x128xf32, #tpu.memory_space<vmem>>, %arg10: memref<128x128xf32, #tpu.memory_space<vmem>>, %arg11: memref<10112x128xf32, #tpu.memory_space<vmem_shared>>, %arg12: memref<!tpu.dma_semaphore, #tpu.memory_space<semaphore_mem>>, %arg13: memref<!tpu.dma_semaphore, #tpu.memory_space<semaphore_mem>>, %arg14: memref<!tpu.dma_semaphore, #tpu.memory_space<semaphore_mem>>, %arg15: memref<!tpu.dma_semaphore, #tpu.memory_space<semaphore_mem>>, %arg16: memref<!tpu.dma_semaphore, #tpu.memory_space<semaphore_mem>>) attributes {dimension_semantics = [#tpu.dimension_semantics<core_parallel>, #tpu.dimension_semantics<subcore_parallel>], iteration_bounds = array<i64: 2, 16>, scalar_prefetch = 0 : i64, scratch_operands = 10 : i64, tpu.core_type = #tpu.core_type<sc_vector_subcore>, window_params = [{transform_indices = #map}, {transform_indices = #map1}, {transform_indices = #map1}, {transform_indices = #map}, {transform_indices = #map2}]} {
    %eq3A = arith.constant 0 : i32
    %eq3A_0 = arith.cmpi eq, %arg0, %eq3A : i32
    %convert_element_type3A = arith.extui %eq3A_0 : i1 to i32
    %cond3A = arith.constant 0 : i32
    %cond3A_1 = arith.cmpi ne, %convert_element_type3A, %cond3A : i32
    scf.if %cond3A_1 {
      %run_scoped3A = arith.constant 0 : i32
      "tpu.region"() ({
        %run_scoped3A_23 = tpu.sem_alloc : memref<!tpu.dma_semaphore, #tpu.memory_space<semaphore_mem>>
        %dma_start3A_24 = arith.constant 0 : i32
        %dma_start3A_25 = arith.constant 0 : i32
        %dma_start3A_26 = tpu.memref_slice %arg7[%dma_start3A_24, %dma_start3A_25] : memref<32x128xi32, #tpu.memory_space<vmem>> -> memref<16x128xi32, #tpu.memory_space<vmem>>
        %dma_start3A_27 = arith.constant 0 : i32
        %dma_start3A_28 = arith.constant 0 : i32
        %dma_start3A_29 = tpu.memref_slice %arg3[%arg1, %run_scoped3A, %dma_start3A_27, %dma_start3A_28] : memref<16x10x16x128xi32, #tpu.memory_space<hbm>> -> memref<1x1x16x128xi32, #tpu.memory_space<hbm>>
        %dma_start3A_30 = tpu.memref_squeeze %dma_start3A_29 : memref<1x1x16x128xi32, #tpu.memory_space<hbm>> -> memref<16x128xi32, #tpu.memory_space<hbm>>
        %dma_start3A_31 = arith.constant 0 : i32
        %dma_start3A_32 = arith.constant 0 : i32
        %dma_start3A_33 = tpu.memref_slice %arg7[%dma_start3A_31, %dma_start3A_32] : memref<32x128xi32, #tpu.memory_space<vmem>> -> memref<16x128xi32, #tpu.memory_space<vmem>>
        %dma_start3A_34 = arith.constant 0 : i32
        %dma_start3A_35 = arith.constant 0 : i32
        %dma_start3A_36 = tpu.memref_slice %arg3[%arg1, %run_scoped3A, %dma_start3A_34, %dma_start3A_35] : memref<16x10x16x128xi32, #tpu.memory_space<hbm>> -> memref<1x1x16x128xi32, #tpu.memory_space<hbm>>
        %dma_start3A_37 = tpu.memref_squeeze %dma_start3A_36 : memref<1x1x16x128xi32, #tpu.memory_space<hbm>> -> memref<16x128xi32, #tpu.memory_space<hbm>>
        tpu.enqueue_dma source(%dma_start3A_37 : memref<16x128xi32, #tpu.memory_space<hbm>>) target(%dma_start3A_33 : memref<16x128xi32, #tpu.memory_space<vmem>>) target_semaphore(%run_scoped3A_23 : memref<!tpu.dma_semaphore, #tpu.memory_space<semaphore_mem>>)
        %dma_wait3A = arith.constant 0 : i32
        %dma_wait3A_38 = arith.constant 0 : i32
        %dma_wait3A_39 = tpu.memref_slice %arg7[%dma_wait3A, %dma_wait3A_38] : memref<32x128xi32, #tpu.memory_space<vmem>> -> memref<16x128xi32, #tpu.memory_space<vmem>>
        %dma_wait3A_40 = arith.constant 0 : i32
        %dma_wait3A_41 = arith.constant 0 : i32
        %dma_wait3A_42 = tpu.memref_slice %arg3[%arg1, %run_scoped3A, %dma_wait3A_40, %dma_wait3A_41] : memref<16x10x16x128xi32, #tpu.memory_space<hbm>> -> memref<1x1x16x128xi32, #tpu.memory_space<hbm>>
        %dma_wait3A_43 = tpu.memref_squeeze %dma_wait3A_42 : memref<1x1x16x128xi32, #tpu.memory_space<hbm>> -> memref<16x128xi32, #tpu.memory_space<hbm>>
        %dma_wait3A_44 = arith.constant 0 : i32
        %dma_wait3A_45 = arith.constant 0 : i32
        %dma_wait3A_46 = tpu.memref_slice %arg7[%dma_wait3A_44, %dma_wait3A_45] : memref<32x128xi32, #tpu.memory_space<vmem>> -> memref<16x128xi32, #tpu.memory_space<vmem>>
        %dma_wait3A_47 = arith.constant 0 : i32
        %dma_wait3A_48 = arith.constant 0 : i32
        %dma_wait3A_49 = tpu.memref_slice %arg3[%arg1, %run_scoped3A, %dma_wait3A_47, %dma_wait3A_48] : memref<16x10x16x128xi32, #tpu.memory_space<hbm>> -> memref<1x1x16x128xi32, #tpu.memory_space<hbm>>
        %dma_wait3A_50 = tpu.memref_squeeze %dma_wait3A_49 : memref<1x1x16x128xi32, #tpu.memory_space<hbm>> -> memref<16x128xi32, #tpu.memory_space<hbm>>
        tpu.wait_dma2 semaphore(%run_scoped3A_23 : memref<!tpu.dma_semaphore, #tpu.memory_space<semaphore_mem>>) src(%dma_wait3A_50 : memref<16x128xi32, #tpu.memory_space<hbm>>) dst(%dma_wait3A_46 : memref<16x128xi32, #tpu.memory_space<vmem>>)
        tpu.yield
      }) : () -> ()
      %run_scoped3A_13 = arith.constant 0 : i32
      "tpu.region"() ({
        %run_scoped3A_23 = tpu.sem_alloc : memref<!tpu.dma_semaphore, #tpu.memory_space<semaphore_mem>>
        %dma_start3A_24 = arith.constant 0 : i32
        %dma_start3A_25 = arith.constant 0 : i32
        %dma_start3A_26 = tpu.memref_slice %arg8[%dma_start3A_24, %dma_start3A_25] : memref<32x128xi32, #tpu.memory_space<vmem>> -> memref<16x128xi32, #tpu.memory_space<vmem>>
        %dma_start3A_27 = arith.constant 0 : i32
        %dma_start3A_28 = arith.constant 0 : i32
        %dma_start3A_29 = tpu.memref_slice %arg4[%arg1, %run_scoped3A_13, %dma_start3A_27, %dma_start3A_28] : memref<16x10x16x128xi32, #tpu.memory_space<hbm>> -> memref<1x1x16x128xi32, #tpu.memory_space<hbm>>
        %dma_start3A_30 = tpu.memref_squeeze %dma_start3A_29 : memref<1x1x16x128xi32, #tpu.memory_space<hbm>> -> memref<16x128xi32, #tpu.memory_space<hbm>>
        %dma_start3A_31 = arith.constant 0 : i32
        %dma_start3A_32 = arith.constant 0 : i32
        %dma_start3A_33 = tpu.memref_slice %arg8[%dma_start3A_31, %dma_start3A_32] : memref<32x128xi32, #tpu.memory_space<vmem>> -> memref<16x128xi32, #tpu.memory_space<vmem>>
        %dma_start3A_34 = arith.constant 0 : i32
        %dma_start3A_35 = arith.constant 0 : i32
        %dma_start3A_36 = tpu.memref_slice %arg4[%arg1, %run_scoped3A_13, %dma_start3A_34, %dma_start3A_35] : memref<16x10x16x128xi32, #tpu.memory_space<hbm>> -> memref<1x1x16x128xi32, #tpu.memory_space<hbm>>
        %dma_start3A_37 = tpu.memref_squeeze %dma_start3A_36 : memref<1x1x16x128xi32, #tpu.memory_space<hbm>> -> memref<16x128xi32, #tpu.memory_space<hbm>>
        tpu.enqueue_dma source(%dma_start3A_37 : memref<16x128xi32, #tpu.memory_space<hbm>>) target(%dma_start3A_33 : memref<16x128xi32, #tpu.memory_space<vmem>>) target_semaphore(%run_scoped3A_23 : memref<!tpu.dma_semaphore, #tpu.memory_space<semaphore_mem>>)
        %dma_wait3A = arith.constant 0 : i32
        %dma_wait3A_38 = arith.constant 0 : i32
        %dma_wait3A_39 = tpu.memref_slice %arg8[%dma_wait3A, %dma_wait3A_38] : memref<32x128xi32, #tpu.memory_space<vmem>> -> memref<16x128xi32, #tpu.memory_space<vmem>>
        %dma_wait3A_40 = arith.constant 0 : i32
        %dma_wait3A_41 = arith.constant 0 : i32
        %dma_wait3A_42 = tpu.memref_slice %arg4[%arg1, %run_scoped3A_13, %dma_wait3A_40, %dma_wait3A_41] : memref<16x10x16x128xi32, #tpu.memory_space<hbm>> -> memref<1x1x16x128xi32, #tpu.memory_space<hbm>>
        %dma_wait3A_43 = tpu.memref_squeeze %dma_wait3A_42 : memref<1x1x16x128xi32, #tpu.memory_space<hbm>> -> memref<16x128xi32, #tpu.memory_space<hbm>>
        %dma_wait3A_44 = arith.constant 0 : i32
        %dma_wait3A_45 = arith.constant 0 : i32
        %dma_wait3A_46 = tpu.memref_slice %arg8[%dma_wait3A_44, %dma_wait3A_45] : memref<32x128xi32, #tpu.memory_space<vmem>> -> memref<16x128xi32, #tpu.memory_space<vmem>>
        %dma_wait3A_47 = arith.constant 0 : i32
        %dma_wait3A_48 = arith.constant 0 : i32
        %dma_wait3A_49 = tpu.memref_slice %arg4[%arg1, %run_scoped3A_13, %dma_wait3A_47, %dma_wait3A_48] : memref<16x10x16x128xi32, #tpu.memory_space<hbm>> -> memref<1x1x16x128xi32, #tpu.memory_space<hbm>>
        %dma_wait3A_50 = tpu.memref_squeeze %dma_wait3A_49 : memref<1x1x16x128xi32, #tpu.memory_space<hbm>> -> memref<16x128xi32, #tpu.memory_space<hbm>>
        tpu.wait_dma2 semaphore(%run_scoped3A_23 : memref<!tpu.dma_semaphore, #tpu.memory_space<semaphore_mem>>) src(%dma_wait3A_50 : memref<16x128xi32, #tpu.memory_space<hbm>>) dst(%dma_wait3A_46 : memref<16x128xi32, #tpu.memory_space<vmem>>)
        tpu.yield
      }) : () -> ()
      %dma_start3A = arith.constant 0 : i32
      %dma_start3A_14 = arith.constant 0 : i32
      %dma_start3A_15 = tpu.memref_slice %arg7[%dma_start3A, %dma_start3A_14] : memref<32x128xi32, #tpu.memory_space<vmem>> -> memref<1x128xi32, #tpu.memory_space<vmem>>
      %dma_start3A_16 = tpu.memref_squeeze %dma_start3A_15 : memref<1x128xi32, #tpu.memory_space<vmem>> -> memref<128xi32, #tpu.memory_space<vmem>>
      %dma_start3A_17 = arith.constant 0 : i32
      %dma_start3A_18 = arith.constant 0 : i32
      %dma_start3A_19 = tpu.memref_slice %arg2[%dma_start3A_17, %dma_start3A_18] : memref<10112x128xf32, #tpu.memory_space<hbm>> -> memref<10112x128xf32, #tpu.memory_space<hbm>>
      tpu.enqueue_indirect_dma source(%dma_start3A_19 : memref<10112x128xf32, #tpu.memory_space<hbm>>) target(%arg9 : memref<128x128xf32, #tpu.memory_space<vmem>>) offsets(%dma_start3A_16 : memref<128xi32, #tpu.memory_space<vmem>>) semaphore(%arg12 : memref<!tpu.dma_semaphore, #tpu.memory_space<semaphore_mem>>)
      %mul3A = arith.constant 632 : i32
      %mul3A_20 = arith.muli %arg1, %mul3A : i32
      %mul3A_21 = arith.constant 632 : i32
      %mul3A_22 = arith.muli %arg1, %mul3A_21 : i32
      "tpu.region"() ({
        %run_scoped3A_23 = tpu.sem_alloc : memref<!tpu.dma_semaphore, #tpu.memory_space<semaphore_mem>>
        %dma_start3A_24 = arith.constant 0 : i32
        %dma_start3A_25 = tpu.memref_slice %arg11[%mul3A_22, %dma_start3A_24] : memref<10112x128xf32, #tpu.memory_space<vmem_shared>> -> memref<632x128xf32, #tpu.memory_space<vmem_shared>>
        %dma_start3A_26 = arith.constant 0 : i32
        %dma_start3A_27 = tpu.memref_slice %arg5[%mul3A_20, %dma_start3A_26] : memref<10112x128xf32, #tpu.memory_space<hbm>> -> memref<632x128xf32, #tpu.memory_space<hbm>>
        tpu.enqueue_dma source(%dma_start3A_27 : memref<632x128xf32, #tpu.memory_space<hbm>>) target(%dma_start3A_25 : memref<632x128xf32, #tpu.memory_space<vmem_shared>>) target_semaphore(%run_scoped3A_23 : memref<!tpu.dma_semaphore, #tpu.memory_space<semaphore_mem>>)
        %dma_wait3A = arith.constant 0 : i32
        %dma_wait3A_28 = tpu.memref_slice %arg11[%mul3A_22, %dma_wait3A] : memref<10112x128xf32, #tpu.memory_space<vmem_shared>> -> memref<632x128xf32, #tpu.memory_space<vmem_shared>>
        %dma_wait3A_29 = arith.constant 0 : i32
        %dma_wait3A_30 = tpu.memref_slice %arg5[%mul3A_20, %dma_wait3A_29] : memref<10112x128xf32, #tpu.memory_space<hbm>> -> memref<632x128xf32, #tpu.memory_space<hbm>>
        tpu.wait_dma2 semaphore(%run_scoped3A_23 : memref<!tpu.dma_semaphore, #tpu.memory_space<semaphore_mem>>) src(%dma_wait3A_30 : memref<632x128xf32, #tpu.memory_space<hbm>>) dst(%dma_wait3A_28 : memref<632x128xf32, #tpu.memory_space<vmem_shared>>)
        tpu.yield
      }) : () -> ()
    } else {
    }
    %barrier3A = arith.constant 0 : index
    tpu.barrier barrier_id(%barrier3A)
    %eq3A_2 = arith.constant 0 : i32
    %eq3A_3 = arith.cmpi eq, %arg0, %eq3A_2 : i32
    %convert_element_type3A_4 = arith.extui %eq3A_3 : i1 to i32
    %cond3A_5 = arith.constant 0 : i32
    %cond3A_6 = arith.cmpi ne, %convert_element_type3A_4, %cond3A_5 : i32
    scf.if %cond3A_6 {
      %scan3A = arith.constant 0 : i32
      %scan3A_13 = arith.constant 80 : i32
      %scan3A_14 = arith.addi %scan3A, %scan3A_13 : i32
      %scan3A_15 = arith.constant 1 : i32
      scf.for %scan3A_30 = %scan3A to %scan3A_14 step %scan3A_15  : i32 {
        %mul3A = arith.constant 1 : i32
        %mul3A_31 = arith.muli %scan3A_30, %mul3A : i32
        %add3A = arith.constant 0 : i32
        %add3A_32 = arith.addi %add3A, %mul3A_31 : i32
        %mul3A_33 = arith.constant 2 : i32
        %mul3A_34 = arith.muli %add3A_32, %mul3A_33 : i32
        %add3A_35 = arith.constant 0 : i32
        %add3A_36 = arith.addi %mul3A_34, %add3A_35 : i32
        %jit3A = arith.constant 16 : i32
        %div3A = arith.divsi %add3A_36, %jit3A : i32
        %sign3A = arith.constant 0 : i32
        %sign3A_37 = arith.cmpi sgt, %add3A_36, %sign3A : i32
        %sign3A_38 = arith.extui %sign3A_37 : i1 to i32
        %sign3A_39 = arith.constant 0 : i32
        %sign3A_40 = arith.cmpi slt, %add3A_36, %sign3A_39 : i32
        %sign3A_41 = arith.extui %sign3A_40 : i1 to i32
        %sign3A_42 = arith.subi %sign3A_38, %sign3A_41 : i32
        %sign3A_43 = arith.constant 0 : i32
        %sign3A_44 = arith.cmpi sgt, %jit3A, %sign3A_43 : i32
        %sign3A_45 = arith.extui %sign3A_44 : i1 to i32
        %sign3A_46 = arith.constant 0 : i32
        %sign3A_47 = arith.cmpi slt, %jit3A, %sign3A_46 : i32
        %sign3A_48 = arith.extui %sign3A_47 : i1 to i32
        %sign3A_49 = arith.subi %sign3A_45, %sign3A_48 : i32
        %ne3A = arith.cmpi ne, %sign3A_42, %sign3A_49 : i32
        %rem3A = arith.remsi %add3A_36, %jit3A : i32
        %ne3A_50 = arith.constant 0 : i32
        %ne3A_51 = arith.cmpi ne, %rem3A, %ne3A_50 : i32
        %and3A = arith.andi %ne3A, %ne3A_51 : i1
        %sub3A = arith.constant 1 : i32
        %sub3A_52 = arith.subi %div3A, %sub3A : i32
        %select_n3A = arith.select %and3A, %sub3A_52, %div3A : i32
        %rem3A_53 = arith.constant 16 : i32
        %rem3A_54 = arith.remsi %add3A_36, %rem3A_53 : i32
        %rem3A_55 = arith.constant 2 : i32
        %rem3A_56 = arith.remsi %select_n3A, %rem3A_55 : i32
        %sub3A_57 = arith.constant 1 : i32
        %sub3A_58 = arith.subi %sub3A_57, %rem3A_56 : i32
        %add3A_59 = arith.constant 1 : i32
        %add3A_60 = arith.addi %select_n3A, %add3A_59 : i32
        %min3A = arith.constant 9 : i32
        %min3A_61 = arith.minsi %add3A_60, %min3A : i32
        %eq3A_62 = arith.constant 0 : i32
        %eq3A_63 = arith.cmpi eq, %rem3A_54, %eq3A_62 : i32
        %convert_element_type3A_64 = arith.extui %eq3A_63 : i1 to i32
        %cond3A_65 = arith.constant 0 : i32
        %cond3A_66 = arith.cmpi ne, %convert_element_type3A_64, %cond3A_65 : i32
        scf.if %cond3A_66 {
          %mul3A_309 = arith.constant 16 : i32
          %mul3A_310 = arith.muli %sub3A_58, %mul3A_309 : i32
          %dma_start3A_311 = arith.constant 0 : i32
          %dma_start3A_312 = tpu.memref_slice %arg7[%mul3A_310, %dma_start3A_311] : memref<32x128xi32, #tpu.memory_space<vmem>> -> memref<16x128xi32, #tpu.memory_space<vmem>>
          %dma_start3A_313 = arith.constant 0 : i32
          %dma_start3A_314 = arith.constant 0 : i32
          %dma_start3A_315 = tpu.memref_slice %arg3[%arg1, %min3A_61, %dma_start3A_313, %dma_start3A_314] : memref<16x10x16x128xi32, #tpu.memory_space<hbm>> -> memref<1x1x16x128xi32, #tpu.memory_space<hbm>>
          %dma_start3A_316 = tpu.memref_squeeze %dma_start3A_315 : memref<1x1x16x128xi32, #tpu.memory_space<hbm>> -> memref<16x128xi32, #tpu.memory_space<hbm>>
          %dma_start3A_317 = arith.constant 0 : i32
          %dma_start3A_318 = tpu.memref_slice %arg7[%mul3A_310, %dma_start3A_317] : memref<32x128xi32, #tpu.memory_space<vmem>> -> memref<16x128xi32, #tpu.memory_space<vmem>>
          %dma_start3A_319 = arith.constant 0 : i32
          %dma_start3A_320 = arith.constant 0 : i32
          %dma_start3A_321 = tpu.memref_slice %arg3[%arg1, %min3A_61, %dma_start3A_319, %dma_start3A_320] : memref<16x10x16x128xi32, #tpu.memory_space<hbm>> -> memref<1x1x16x128xi32, #tpu.memory_space<hbm>>
          %dma_start3A_322 = tpu.memref_squeeze %dma_start3A_321 : memref<1x1x16x128xi32, #tpu.memory_space<hbm>> -> memref<16x128xi32, #tpu.memory_space<hbm>>
          tpu.enqueue_dma source(%dma_start3A_322 : memref<16x128xi32, #tpu.memory_space<hbm>>) target(%dma_start3A_318 : memref<16x128xi32, #tpu.memory_space<vmem>>) target_semaphore(%arg16 : memref<!tpu.dma_semaphore, #tpu.memory_space<semaphore_mem>>)
          %mul3A_323 = arith.constant 16 : i32
          %mul3A_324 = arith.muli %sub3A_58, %mul3A_323 : i32
          %dma_start3A_325 = arith.constant 0 : i32
          %dma_start3A_326 = tpu.memref_slice %arg8[%mul3A_324, %dma_start3A_325] : memref<32x128xi32, #tpu.memory_space<vmem>> -> memref<16x128xi32, #tpu.memory_space<vmem>>
          %dma_start3A_327 = arith.constant 0 : i32
          %dma_start3A_328 = arith.constant 0 : i32
          %dma_start3A_329 = tpu.memref_slice %arg4[%arg1, %min3A_61, %dma_start3A_327, %dma_start3A_328] : memref<16x10x16x128xi32, #tpu.memory_space<hbm>> -> memref<1x1x16x128xi32, #tpu.memory_space<hbm>>
          %dma_start3A_330 = tpu.memref_squeeze %dma_start3A_329 : memref<1x1x16x128xi32, #tpu.memory_space<hbm>> -> memref<16x128xi32, #tpu.memory_space<hbm>>
          %dma_start3A_331 = arith.constant 0 : i32
          %dma_start3A_332 = tpu.memref_slice %arg8[%mul3A_324, %dma_start3A_331] : memref<32x128xi32, #tpu.memory_space<vmem>> -> memref<16x128xi32, #tpu.memory_space<vmem>>
          %dma_start3A_333 = arith.constant 0 : i32
          %dma_start3A_334 = arith.constant 0 : i32
          %dma_start3A_335 = tpu.memref_slice %arg4[%arg1, %min3A_61, %dma_start3A_333, %dma_start3A_334] : memref<16x10x16x128xi32, #tpu.memory_space<hbm>> -> memref<1x1x16x128xi32, #tpu.memory_space<hbm>>
          %dma_start3A_336 = tpu.memref_squeeze %dma_start3A_335 : memref<1x1x16x128xi32, #tpu.memory_space<hbm>> -> memref<16x128xi32, #tpu.memory_space<hbm>>
          tpu.enqueue_dma source(%dma_start3A_336 : memref<16x128xi32, #tpu.memory_space<hbm>>) target(%dma_start3A_332 : memref<16x128xi32, #tpu.memory_space<vmem>>) target_semaphore(%arg16 : memref<!tpu.dma_semaphore, #tpu.memory_space<semaphore_mem>>)
        } else {
        }
        %eq3A_67 = arith.constant 15 : i32
        %eq3A_68 = arith.cmpi eq, %rem3A_54, %eq3A_67 : i32
        %convert_element_type3A_69 = arith.extui %eq3A_68 : i1 to i32
        %cond3A_70 = arith.constant 0 : i32
        %cond3A_71 = arith.cmpi ne, %convert_element_type3A_69, %cond3A_70 : i32
        scf.if %cond3A_71 {
          %mul3A_309 = arith.constant 16 : i32
          %mul3A_310 = arith.muli %sub3A_58, %mul3A_309 : i32
          %dma_wait3A_311 = arith.constant 0 : i32
          %dma_wait3A_312 = tpu.memref_slice %arg7[%mul3A_310, %dma_wait3A_311] : memref<32x128xi32, #tpu.memory_space<vmem>> -> memref<16x128xi32, #tpu.memory_space<vmem>>
          %dma_wait3A_313 = arith.constant 0 : i32
          %dma_wait3A_314 = arith.constant 0 : i32
          %dma_wait3A_315 = tpu.memref_slice %arg3[%arg1, %min3A_61, %dma_wait3A_313, %dma_wait3A_314] : memref<16x10x16x128xi32, #tpu.memory_space<hbm>> -> memref<1x1x16x128xi32, #tpu.memory_space<hbm>>
          %dma_wait3A_316 = tpu.memref_squeeze %dma_wait3A_315 : memref<1x1x16x128xi32, #tpu.memory_space<hbm>> -> memref<16x128xi32, #tpu.memory_space<hbm>>
          %dma_wait3A_317 = arith.constant 0 : i32
          %dma_wait3A_318 = tpu.memref_slice %arg7[%mul3A_310, %dma_wait3A_317] : memref<32x128xi32, #tpu.memory_space<vmem>> -> memref<16x128xi32, #tpu.memory_space<vmem>>
          %dma_wait3A_319 = arith.constant 0 : i32
          %dma_wait3A_320 = arith.constant 0 : i32
          %dma_wait3A_321 = tpu.memref_slice %arg3[%arg1, %min3A_61, %dma_wait3A_319, %dma_wait3A_320] : memref<16x10x16x128xi32, #tpu.memory_space<hbm>> -> memref<1x1x16x128xi32, #tpu.memory_space<hbm>>
          %dma_wait3A_322 = tpu.memref_squeeze %dma_wait3A_321 : memref<1x1x16x128xi32, #tpu.memory_space<hbm>> -> memref<16x128xi32, #tpu.memory_space<hbm>>
          tpu.wait_dma2 semaphore(%arg16 : memref<!tpu.dma_semaphore, #tpu.memory_space<semaphore_mem>>) src(%dma_wait3A_322 : memref<16x128xi32, #tpu.memory_space<hbm>>) dst(%dma_wait3A_318 : memref<16x128xi32, #tpu.memory_space<vmem>>)
          %mul3A_323 = arith.constant 16 : i32
          %mul3A_324 = arith.muli %sub3A_58, %mul3A_323 : i32
          %dma_wait3A_325 = arith.constant 0 : i32
          %dma_wait3A_326 = tpu.memref_slice %arg8[%mul3A_324, %dma_wait3A_325] : memref<32x128xi32, #tpu.memory_space<vmem>> -> memref<16x128xi32, #tpu.memory_space<vmem>>
          %dma_wait3A_327 = arith.constant 0 : i32
          %dma_wait3A_328 = arith.constant 0 : i32
          %dma_wait3A_329 = tpu.memref_slice %arg4[%arg1, %min3A_61, %dma_wait3A_327, %dma_wait3A_328] : memref<16x10x16x128xi32, #tpu.memory_space<hbm>> -> memref<1x1x16x128xi32, #tpu.memory_space<hbm>>
          %dma_wait3A_330 = tpu.memref_squeeze %dma_wait3A_329 : memref<1x1x16x128xi32, #tpu.memory_space<hbm>> -> memref<16x128xi32, #tpu.memory_space<hbm>>
          %dma_wait3A_331 = arith.constant 0 : i32
          %dma_wait3A_332 = tpu.memref_slice %arg8[%mul3A_324, %dma_wait3A_331] : memref<32x128xi32, #tpu.memory_space<vmem>> -> memref<16x128xi32, #tpu.memory_space<vmem>>
          %dma_wait3A_333 = arith.constant 0 : i32
          %dma_wait3A_334 = arith.constant 0 : i32
          %dma_wait3A_335 = tpu.memref_slice %arg4[%arg1, %min3A_61, %dma_wait3A_333, %dma_wait3A_334] : memref<16x10x16x128xi32, #tpu.memory_space<hbm>> -> memref<1x1x16x128xi32, #tpu.memory_space<hbm>>
          %dma_wait3A_336 = tpu.memref_squeeze %dma_wait3A_335 : memref<1x1x16x128xi32, #tpu.memory_space<hbm>> -> memref<16x128xi32, #tpu.memory_space<hbm>>
          tpu.wait_dma2 semaphore(%arg16 : memref<!tpu.dma_semaphore, #tpu.memory_space<semaphore_mem>>) src(%dma_wait3A_336 : memref<16x128xi32, #tpu.memory_space<hbm>>) dst(%dma_wait3A_332 : memref<16x128xi32, #tpu.memory_space<vmem>>)
        } else {
        }
        %mul3A_72 = arith.constant 16 : i32
        %mul3A_73 = arith.muli %rem3A_56, %mul3A_72 : i32
        %add3A_74 = arith.addi %mul3A_73, %rem3A_54 : i32
        %dma_wait3A_75 = arith.constant 0 : i32
        %dma_wait3A_76 = tpu.memref_slice %arg7[%add3A_74, %dma_wait3A_75] : memref<32x128xi32, #tpu.memory_space<vmem>> -> memref<1x128xi32, #tpu.memory_space<vmem>>
        %dma_wait3A_77 = tpu.memref_squeeze %dma_wait3A_76 : memref<1x128xi32, #tpu.memory_space<vmem>> -> memref<128xi32, #tpu.memory_space<vmem>>
        %dma_wait3A_78 = arith.constant 0 : i32
        %dma_wait3A_79 = arith.constant 0 : i32
        %dma_wait3A_80 = tpu.memref_slice %arg2[%dma_wait3A_78, %dma_wait3A_79] : memref<10112x128xf32, #tpu.memory_space<hbm>> -> memref<10112x128xf32, #tpu.memory_space<hbm>>
        tpu.wait_indirect_dma semaphore(%arg12 : memref<!tpu.dma_semaphore, #tpu.memory_space<semaphore_mem>>) src(%dma_wait3A_80 : memref<10112x128xf32, #tpu.memory_space<hbm>>) dst(%arg9 : memref<128x128xf32, #tpu.memory_space<vmem>>)
        %mul3A_81 = arith.constant 16 : i32
        %mul3A_82 = arith.muli %rem3A_56, %mul3A_81 : i32
        %add3A_83 = arith.addi %mul3A_82, %rem3A_54 : i32
        %dma_start3A = arith.constant 0 : i32
        %dma_start3A_84 = tpu.memref_slice %arg8[%add3A_83, %dma_start3A] : memref<32x128xi32, #tpu.memory_space<vmem>> -> memref<1x128xi32, #tpu.memory_space<vmem>>
        %dma_start3A_85 = tpu.memref_squeeze %dma_start3A_84 : memref<1x128xi32, #tpu.memory_space<vmem>> -> memref<128xi32, #tpu.memory_space<vmem>>
        %dma_start3A_86 = arith.constant 0 : i32
        %dma_start3A_87 = arith.constant 0 : i32
        %dma_start3A_88 = tpu.memref_slice %arg11[%dma_start3A_86, %dma_start3A_87] : memref<10112x128xf32, #tpu.memory_space<vmem_shared>> -> memref<10112x128xf32, #tpu.memory_space<vmem_shared>>
        tpu.enqueue_indirect_dma source(%arg9 : memref<128x128xf32, #tpu.memory_space<vmem>>) target(%dma_start3A_88 : memref<10112x128xf32, #tpu.memory_space<vmem_shared>>) offsets(%dma_start3A_85 : memref<128xi32, #tpu.memory_space<vmem>>) semaphore(%arg14 : memref<!tpu.dma_semaphore, #tpu.memory_space<semaphore_mem>>) {add = true}
        %sub3A_89 = arith.constant 1 : i32
        %sub3A_90 = arith.subi %add3A_36, %sub3A_89 : i32
        %max3A = arith.constant 0 : i32
        %max3A_91 = arith.maxsi %sub3A_90, %max3A : i32
        %jit3A_92 = arith.constant 16 : i32
        %div3A_93 = arith.divsi %max3A_91, %jit3A_92 : i32
        %sign3A_94 = arith.constant 0 : i32
        %sign3A_95 = arith.cmpi sgt, %max3A_91, %sign3A_94 : i32
        %sign3A_96 = arith.extui %sign3A_95 : i1 to i32
        %sign3A_97 = arith.constant 0 : i32
        %sign3A_98 = arith.cmpi slt, %max3A_91, %sign3A_97 : i32
        %sign3A_99 = arith.extui %sign3A_98 : i1 to i32
        %sign3A_100 = arith.subi %sign3A_96, %sign3A_99 : i32
        %sign3A_101 = arith.constant 0 : i32
        %sign3A_102 = arith.cmpi sgt, %jit3A_92, %sign3A_101 : i32
        %sign3A_103 = arith.extui %sign3A_102 : i1 to i32
        %sign3A_104 = arith.constant 0 : i32
        %sign3A_105 = arith.cmpi slt, %jit3A_92, %sign3A_104 : i32
        %sign3A_106 = arith.extui %sign3A_105 : i1 to i32
        %sign3A_107 = arith.subi %sign3A_103, %sign3A_106 : i32
        %ne3A_108 = arith.cmpi ne, %sign3A_100, %sign3A_107 : i32
        %rem3A_109 = arith.remsi %max3A_91, %jit3A_92 : i32
        %ne3A_110 = arith.constant 0 : i32
        %ne3A_111 = arith.cmpi ne, %rem3A_109, %ne3A_110 : i32
        %and3A_112 = arith.andi %ne3A_108, %ne3A_111 : i1
        %sub3A_113 = arith.constant 1 : i32
        %sub3A_114 = arith.subi %div3A_93, %sub3A_113 : i32
        %select_n3A_115 = arith.select %and3A_112, %sub3A_114, %div3A_93 : i32
        %rem3A_116 = arith.constant 2 : i32
        %rem3A_117 = arith.remsi %select_n3A_115, %rem3A_116 : i32
        %rem3A_118 = arith.constant 16 : i32
        %rem3A_119 = arith.remsi %max3A_91, %rem3A_118 : i32
        %ge3A = arith.constant 1 : i32
        %ge3A_120 = arith.cmpi sge, %add3A_36, %ge3A : i32
        %convert_element_type3A_121 = arith.extui %ge3A_120 : i1 to i32
        %cond3A_122 = arith.constant 0 : i32
        %cond3A_123 = arith.cmpi ne, %convert_element_type3A_121, %cond3A_122 : i32
        scf.if %cond3A_123 {
          %mul3A_309 = arith.constant 16 : i32
          %mul3A_310 = arith.muli %rem3A_117, %mul3A_309 : i32
          %add3A_311 = arith.addi %mul3A_310, %rem3A_119 : i32
          %dma_wait3A_312 = arith.constant 0 : i32
          %dma_wait3A_313 = tpu.memref_slice %arg8[%add3A_311, %dma_wait3A_312] : memref<32x128xi32, #tpu.memory_space<vmem>> -> memref<1x128xi32, #tpu.memory_space<vmem>>
          %dma_wait3A_314 = tpu.memref_squeeze %dma_wait3A_313 : memref<1x128xi32, #tpu.memory_space<vmem>> -> memref<128xi32, #tpu.memory_space<vmem>>
          %dma_wait3A_315 = arith.constant 0 : i32
          %dma_wait3A_316 = arith.constant 0 : i32
          %dma_wait3A_317 = tpu.memref_slice %arg11[%dma_wait3A_315, %dma_wait3A_316] : memref<10112x128xf32, #tpu.memory_space<vmem_shared>> -> memref<10112x128xf32, #tpu.memory_space<vmem_shared>>
          tpu.wait_indirect_dma semaphore(%arg15 : memref<!tpu.dma_semaphore, #tpu.memory_space<semaphore_mem>>) src(%arg10 : memref<128x128xf32, #tpu.memory_space<vmem>>) dst(%dma_wait3A_317 : memref<10112x128xf32, #tpu.memory_space<vmem_shared>>)
        } else {
        }
        %add3A_124 = arith.constant 1 : i32
        %add3A_125 = arith.addi %add3A_36, %add3A_124 : i32
        %min3A_126 = arith.constant 159 : i32
        %min3A_127 = arith.minsi %add3A_125, %min3A_126 : i32
        %jit3A_128 = arith.constant 16 : i32
        %div3A_129 = arith.divsi %min3A_127, %jit3A_128 : i32
        %sign3A_130 = arith.constant 0 : i32
        %sign3A_131 = arith.cmpi sgt, %min3A_127, %sign3A_130 : i32
        %sign3A_132 = arith.extui %sign3A_131 : i1 to i32
        %sign3A_133 = arith.constant 0 : i32
        %sign3A_134 = arith.cmpi slt, %min3A_127, %sign3A_133 : i32
        %sign3A_135 = arith.extui %sign3A_134 : i1 to i32
        %sign3A_136 = arith.subi %sign3A_132, %sign3A_135 : i32
        %sign3A_137 = arith.constant 0 : i32
        %sign3A_138 = arith.cmpi sgt, %jit3A_128, %sign3A_137 : i32
        %sign3A_139 = arith.extui %sign3A_138 : i1 to i32
        %sign3A_140 = arith.constant 0 : i32
        %sign3A_141 = arith.cmpi slt, %jit3A_128, %sign3A_140 : i32
        %sign3A_142 = arith.extui %sign3A_141 : i1 to i32
        %sign3A_143 = arith.subi %sign3A_139, %sign3A_142 : i32
        %ne3A_144 = arith.cmpi ne, %sign3A_136, %sign3A_143 : i32
        %rem3A_145 = arith.remsi %min3A_127, %jit3A_128 : i32
        %ne3A_146 = arith.constant 0 : i32
        %ne3A_147 = arith.cmpi ne, %rem3A_145, %ne3A_146 : i32
        %and3A_148 = arith.andi %ne3A_144, %ne3A_147 : i1
        %sub3A_149 = arith.constant 1 : i32
        %sub3A_150 = arith.subi %div3A_129, %sub3A_149 : i32
        %select_n3A_151 = arith.select %and3A_148, %sub3A_150, %div3A_129 : i32
        %rem3A_152 = arith.constant 2 : i32
        %rem3A_153 = arith.remsi %select_n3A_151, %rem3A_152 : i32
        %rem3A_154 = arith.constant 16 : i32
        %rem3A_155 = arith.remsi %min3A_127, %rem3A_154 : i32
        %mul3A_156 = arith.constant 16 : i32
        %mul3A_157 = arith.muli %rem3A_153, %mul3A_156 : i32
        %add3A_158 = arith.addi %mul3A_157, %rem3A_155 : i32
        %dma_start3A_159 = arith.constant 0 : i32
        %dma_start3A_160 = tpu.memref_slice %arg7[%add3A_158, %dma_start3A_159] : memref<32x128xi32, #tpu.memory_space<vmem>> -> memref<1x128xi32, #tpu.memory_space<vmem>>
        %dma_start3A_161 = tpu.memref_squeeze %dma_start3A_160 : memref<1x128xi32, #tpu.memory_space<vmem>> -> memref<128xi32, #tpu.memory_space<vmem>>
        %dma_start3A_162 = arith.constant 0 : i32
        %dma_start3A_163 = arith.constant 0 : i32
        %dma_start3A_164 = tpu.memref_slice %arg2[%dma_start3A_162, %dma_start3A_163] : memref<10112x128xf32, #tpu.memory_space<hbm>> -> memref<10112x128xf32, #tpu.memory_space<hbm>>
        tpu.enqueue_indirect_dma source(%dma_start3A_164 : memref<10112x128xf32, #tpu.memory_space<hbm>>) target(%arg10 : memref<128x128xf32, #tpu.memory_space<vmem>>) offsets(%dma_start3A_161 : memref<128xi32, #tpu.memory_space<vmem>>) semaphore(%arg13 : memref<!tpu.dma_semaphore, #tpu.memory_space<semaphore_mem>>)
        %mul3A_165 = arith.constant 2 : i32
        %mul3A_166 = arith.muli %add3A_32, %mul3A_165 : i32
        %add3A_167 = arith.constant 1 : i32
        %add3A_168 = arith.addi %mul3A_166, %add3A_167 : i32
        %jit3A_169 = arith.constant 16 : i32
        %div3A_170 = arith.divsi %add3A_168, %jit3A_169 : i32
        %sign3A_171 = arith.constant 0 : i32
        %sign3A_172 = arith.cmpi sgt, %add3A_168, %sign3A_171 : i32
        %sign3A_173 = arith.extui %sign3A_172 : i1 to i32
        %sign3A_174 = arith.constant 0 : i32
        %sign3A_175 = arith.cmpi slt, %add3A_168, %sign3A_174 : i32
        %sign3A_176 = arith.extui %sign3A_175 : i1 to i32
        %sign3A_177 = arith.subi %sign3A_173, %sign3A_176 : i32
        %sign3A_178 = arith.constant 0 : i32
        %sign3A_179 = arith.cmpi sgt, %jit3A_169, %sign3A_178 : i32
        %sign3A_180 = arith.extui %sign3A_179 : i1 to i32
        %sign3A_181 = arith.constant 0 : i32
        %sign3A_182 = arith.cmpi slt, %jit3A_169, %sign3A_181 : i32
        %sign3A_183 = arith.extui %sign3A_182 : i1 to i32
        %sign3A_184 = arith.subi %sign3A_180, %sign3A_183 : i32
        %ne3A_185 = arith.cmpi ne, %sign3A_177, %sign3A_184 : i32
        %rem3A_186 = arith.remsi %add3A_168, %jit3A_169 : i32
        %ne3A_187 = arith.constant 0 : i32
        %ne3A_188 = arith.cmpi ne, %rem3A_186, %ne3A_187 : i32
        %and3A_189 = arith.andi %ne3A_185, %ne3A_188 : i1
        %sub3A_190 = arith.constant 1 : i32
        %sub3A_191 = arith.subi %div3A_170, %sub3A_190 : i32
        %select_n3A_192 = arith.select %and3A_189, %sub3A_191, %div3A_170 : i32
        %rem3A_193 = arith.constant 16 : i32
        %rem3A_194 = arith.remsi %add3A_168, %rem3A_193 : i32
        %rem3A_195 = arith.constant 2 : i32
        %rem3A_196 = arith.remsi %select_n3A_192, %rem3A_195 : i32
        %sub3A_197 = arith.constant 1 : i32
        %sub3A_198 = arith.subi %sub3A_197, %rem3A_196 : i32
        %add3A_199 = arith.constant 1 : i32
        %add3A_200 = arith.addi %select_n3A_192, %add3A_199 : i32
        %min3A_201 = arith.constant 9 : i32
        %min3A_202 = arith.minsi %add3A_200, %min3A_201 : i32
        %eq3A_203 = arith.constant 0 : i32
        %eq3A_204 = arith.cmpi eq, %rem3A_194, %eq3A_203 : i32
        %convert_element_type3A_205 = arith.extui %eq3A_204 : i1 to i32
        %cond3A_206 = arith.constant 0 : i32
        %cond3A_207 = arith.cmpi ne, %convert_element_type3A_205, %cond3A_206 : i32
        scf.if %cond3A_207 {
          %mul3A_309 = arith.constant 16 : i32
          %mul3A_310 = arith.muli %sub3A_198, %mul3A_309 : i32
          %dma_start3A_311 = arith.constant 0 : i32
          %dma_start3A_312 = tpu.memref_slice %arg7[%mul3A_310, %dma_start3A_311] : memref<32x128xi32, #tpu.memory_space<vmem>> -> memref<16x128xi32, #tpu.memory_space<vmem>>
          %dma_start3A_313 = arith.constant 0 : i32
          %dma_start3A_314 = arith.constant 0 : i32
          %dma_start3A_315 = tpu.memref_slice %arg3[%arg1, %min3A_202, %dma_start3A_313, %dma_start3A_314] : memref<16x10x16x128xi32, #tpu.memory_space<hbm>> -> memref<1x1x16x128xi32, #tpu.memory_space<hbm>>
          %dma_start3A_316 = tpu.memref_squeeze %dma_start3A_315 : memref<1x1x16x128xi32, #tpu.memory_space<hbm>> -> memref<16x128xi32, #tpu.memory_space<hbm>>
          %dma_start3A_317 = arith.constant 0 : i32
          %dma_start3A_318 = tpu.memref_slice %arg7[%mul3A_310, %dma_start3A_317] : memref<32x128xi32, #tpu.memory_space<vmem>> -> memref<16x128xi32, #tpu.memory_space<vmem>>
          %dma_start3A_319 = arith.constant 0 : i32
          %dma_start3A_320 = arith.constant 0 : i32
          %dma_start3A_321 = tpu.memref_slice %arg3[%arg1, %min3A_202, %dma_start3A_319, %dma_start3A_320] : memref<16x10x16x128xi32, #tpu.memory_space<hbm>> -> memref<1x1x16x128xi32, #tpu.memory_space<hbm>>
          %dma_start3A_322 = tpu.memref_squeeze %dma_start3A_321 : memref<1x1x16x128xi32, #tpu.memory_space<hbm>> -> memref<16x128xi32, #tpu.memory_space<hbm>>
          tpu.enqueue_dma source(%dma_start3A_322 : memref<16x128xi32, #tpu.memory_space<hbm>>) target(%dma_start3A_318 : memref<16x128xi32, #tpu.memory_space<vmem>>) target_semaphore(%arg16 : memref<!tpu.dma_semaphore, #tpu.memory_space<semaphore_mem>>)
          %mul3A_323 = arith.constant 16 : i32
          %mul3A_324 = arith.muli %sub3A_198, %mul3A_323 : i32
          %dma_start3A_325 = arith.constant 0 : i32
          %dma_start3A_326 = tpu.memref_slice %arg8[%mul3A_324, %dma_start3A_325] : memref<32x128xi32, #tpu.memory_space<vmem>> -> memref<16x128xi32, #tpu.memory_space<vmem>>
          %dma_start3A_327 = arith.constant 0 : i32
          %dma_start3A_328 = arith.constant 0 : i32
          %dma_start3A_329 = tpu.memref_slice %arg4[%arg1, %min3A_202, %dma_start3A_327, %dma_start3A_328] : memref<16x10x16x128xi32, #tpu.memory_space<hbm>> -> memref<1x1x16x128xi32, #tpu.memory_space<hbm>>
          %dma_start3A_330 = tpu.memref_squeeze %dma_start3A_329 : memref<1x1x16x128xi32, #tpu.memory_space<hbm>> -> memref<16x128xi32, #tpu.memory_space<hbm>>
          %dma_start3A_331 = arith.constant 0 : i32
          %dma_start3A_332 = tpu.memref_slice %arg8[%mul3A_324, %dma_start3A_331] : memref<32x128xi32, #tpu.memory_space<vmem>> -> memref<16x128xi32, #tpu.memory_space<vmem>>
          %dma_start3A_333 = arith.constant 0 : i32
          %dma_start3A_334 = arith.constant 0 : i32
          %dma_start3A_335 = tpu.memref_slice %arg4[%arg1, %min3A_202, %dma_start3A_333, %dma_start3A_334] : memref<16x10x16x128xi32, #tpu.memory_space<hbm>> -> memref<1x1x16x128xi32, #tpu.memory_space<hbm>>
          %dma_start3A_336 = tpu.memref_squeeze %dma_start3A_335 : memref<1x1x16x128xi32, #tpu.memory_space<hbm>> -> memref<16x128xi32, #tpu.memory_space<hbm>>
          tpu.enqueue_dma source(%dma_start3A_336 : memref<16x128xi32, #tpu.memory_space<hbm>>) target(%dma_start3A_332 : memref<16x128xi32, #tpu.memory_space<vmem>>) target_semaphore(%arg16 : memref<!tpu.dma_semaphore, #tpu.memory_space<semaphore_mem>>)
        } else {
        }
        %eq3A_208 = arith.constant 15 : i32
        %eq3A_209 = arith.cmpi eq, %rem3A_194, %eq3A_208 : i32
        %convert_element_type3A_210 = arith.extui %eq3A_209 : i1 to i32
        %cond3A_211 = arith.constant 0 : i32
        %cond3A_212 = arith.cmpi ne, %convert_element_type3A_210, %cond3A_211 : i32
        scf.if %cond3A_212 {
          %mul3A_309 = arith.constant 16 : i32
          %mul3A_310 = arith.muli %sub3A_198, %mul3A_309 : i32
          %dma_wait3A_311 = arith.constant 0 : i32
          %dma_wait3A_312 = tpu.memref_slice %arg7[%mul3A_310, %dma_wait3A_311] : memref<32x128xi32, #tpu.memory_space<vmem>> -> memref<16x128xi32, #tpu.memory_space<vmem>>
          %dma_wait3A_313 = arith.constant 0 : i32
          %dma_wait3A_314 = arith.constant 0 : i32
          %dma_wait3A_315 = tpu.memref_slice %arg3[%arg1, %min3A_202, %dma_wait3A_313, %dma_wait3A_314] : memref<16x10x16x128xi32, #tpu.memory_space<hbm>> -> memref<1x1x16x128xi32, #tpu.memory_space<hbm>>
          %dma_wait3A_316 = tpu.memref_squeeze %dma_wait3A_315 : memref<1x1x16x128xi32, #tpu.memory_space<hbm>> -> memref<16x128xi32, #tpu.memory_space<hbm>>
          %dma_wait3A_317 = arith.constant 0 : i32
          %dma_wait3A_318 = tpu.memref_slice %arg7[%mul3A_310, %dma_wait3A_317] : memref<32x128xi32, #tpu.memory_space<vmem>> -> memref<16x128xi32, #tpu.memory_space<vmem>>
          %dma_wait3A_319 = arith.constant 0 : i32
          %dma_wait3A_320 = arith.constant 0 : i32
          %dma_wait3A_321 = tpu.memref_slice %arg3[%arg1, %min3A_202, %dma_wait3A_319, %dma_wait3A_320] : memref<16x10x16x128xi32, #tpu.memory_space<hbm>> -> memref<1x1x16x128xi32, #tpu.memory_space<hbm>>
          %dma_wait3A_322 = tpu.memref_squeeze %dma_wait3A_321 : memref<1x1x16x128xi32, #tpu.memory_space<hbm>> -> memref<16x128xi32, #tpu.memory_space<hbm>>
          tpu.wait_dma2 semaphore(%arg16 : memref<!tpu.dma_semaphore, #tpu.memory_space<semaphore_mem>>) src(%dma_wait3A_322 : memref<16x128xi32, #tpu.memory_space<hbm>>) dst(%dma_wait3A_318 : memref<16x128xi32, #tpu.memory_space<vmem>>)
          %mul3A_323 = arith.constant 16 : i32
          %mul3A_324 = arith.muli %sub3A_198, %mul3A_323 : i32
          %dma_wait3A_325 = arith.constant 0 : i32
          %dma_wait3A_326 = tpu.memref_slice %arg8[%mul3A_324, %dma_wait3A_325] : memref<32x128xi32, #tpu.memory_space<vmem>> -> memref<16x128xi32, #tpu.memory_space<vmem>>
          %dma_wait3A_327 = arith.constant 0 : i32
          %dma_wait3A_328 = arith.constant 0 : i32
          %dma_wait3A_329 = tpu.memref_slice %arg4[%arg1, %min3A_202, %dma_wait3A_327, %dma_wait3A_328] : memref<16x10x16x128xi32, #tpu.memory_space<hbm>> -> memref<1x1x16x128xi32, #tpu.memory_space<hbm>>
          %dma_wait3A_330 = tpu.memref_squeeze %dma_wait3A_329 : memref<1x1x16x128xi32, #tpu.memory_space<hbm>> -> memref<16x128xi32, #tpu.memory_space<hbm>>
          %dma_wait3A_331 = arith.constant 0 : i32
          %dma_wait3A_332 = tpu.memref_slice %arg8[%mul3A_324, %dma_wait3A_331] : memref<32x128xi32, #tpu.memory_space<vmem>> -> memref<16x128xi32, #tpu.memory_space<vmem>>
          %dma_wait3A_333 = arith.constant 0 : i32
          %dma_wait3A_334 = arith.constant 0 : i32
          %dma_wait3A_335 = tpu.memref_slice %arg4[%arg1, %min3A_202, %dma_wait3A_333, %dma_wait3A_334] : memref<16x10x16x128xi32, #tpu.memory_space<hbm>> -> memref<1x1x16x128xi32, #tpu.memory_space<hbm>>
          %dma_wait3A_336 = tpu.memref_squeeze %dma_wait3A_335 : memref<1x1x16x128xi32, #tpu.memory_space<hbm>> -> memref<16x128xi32, #tpu.memory_space<hbm>>
          tpu.wait_dma2 semaphore(%arg16 : memref<!tpu.dma_semaphore, #tpu.memory_space<semaphore_mem>>) src(%dma_wait3A_336 : memref<16x128xi32, #tpu.memory_space<hbm>>) dst(%dma_wait3A_332 : memref<16x128xi32, #tpu.memory_space<vmem>>)
        } else {
        }
        %mul3A_213 = arith.constant 16 : i32
        %mul3A_214 = arith.muli %rem3A_196, %mul3A_213 : i32
        %add3A_215 = arith.addi %mul3A_214, %rem3A_194 : i32
        %dma_wait3A_216 = arith.constant 0 : i32
        %dma_wait3A_217 = tpu.memref_slice %arg7[%add3A_215, %dma_wait3A_216] : memref<32x128xi32, #tpu.memory_space<vmem>> -> memref<1x128xi32, #tpu.memory_space<vmem>>
        %dma_wait3A_218 = tpu.memref_squeeze %dma_wait3A_217 : memref<1x128xi32, #tpu.memory_space<vmem>> -> memref<128xi32, #tpu.memory_space<vmem>>
        %dma_wait3A_219 = arith.constant 0 : i32
        %dma_wait3A_220 = arith.constant 0 : i32
        %dma_wait3A_221 = tpu.memref_slice %arg2[%dma_wait3A_219, %dma_wait3A_220] : memref<10112x128xf32, #tpu.memory_space<hbm>> -> memref<10112x128xf32, #tpu.memory_space<hbm>>
        tpu.wait_indirect_dma semaphore(%arg13 : memref<!tpu.dma_semaphore, #tpu.memory_space<semaphore_mem>>) src(%dma_wait3A_221 : memref<10112x128xf32, #tpu.memory_space<hbm>>) dst(%arg10 : memref<128x128xf32, #tpu.memory_space<vmem>>)
        %mul3A_222 = arith.constant 16 : i32
        %mul3A_223 = arith.muli %rem3A_196, %mul3A_222 : i32
        %add3A_224 = arith.addi %mul3A_223, %rem3A_194 : i32
        %dma_start3A_225 = arith.constant 0 : i32
        %dma_start3A_226 = tpu.memref_slice %arg8[%add3A_224, %dma_start3A_225] : memref<32x128xi32, #tpu.memory_space<vmem>> -> memref<1x128xi32, #tpu.memory_space<vmem>>
        %dma_start3A_227 = tpu.memref_squeeze %dma_start3A_226 : memref<1x128xi32, #tpu.memory_space<vmem>> -> memref<128xi32, #tpu.memory_space<vmem>>
        %dma_start3A_228 = arith.constant 0 : i32
        %dma_start3A_229 = arith.constant 0 : i32
        %dma_start3A_230 = tpu.memref_slice %arg11[%dma_start3A_228, %dma_start3A_229] : memref<10112x128xf32, #tpu.memory_space<vmem_shared>> -> memref<10112x128xf32, #tpu.memory_space<vmem_shared>>
        tpu.enqueue_indirect_dma source(%arg10 : memref<128x128xf32, #tpu.memory_space<vmem>>) target(%dma_start3A_230 : memref<10112x128xf32, #tpu.memory_space<vmem_shared>>) offsets(%dma_start3A_227 : memref<128xi32, #tpu.memory_space<vmem>>) semaphore(%arg15 : memref<!tpu.dma_semaphore, #tpu.memory_space<semaphore_mem>>) {add = true}
        %sub3A_231 = arith.constant 1 : i32
        %sub3A_232 = arith.subi %add3A_168, %sub3A_231 : i32
        %max3A_233 = arith.constant 0 : i32
        %max3A_234 = arith.maxsi %sub3A_232, %max3A_233 : i32
        %jit3A_235 = arith.constant 16 : i32
        %div3A_236 = arith.divsi %max3A_234, %jit3A_235 : i32
        %sign3A_237 = arith.constant 0 : i32
        %sign3A_238 = arith.cmpi sgt, %max3A_234, %sign3A_237 : i32
        %sign3A_239 = arith.extui %sign3A_238 : i1 to i32
        %sign3A_240 = arith.constant 0 : i32
        %sign3A_241 = arith.cmpi slt, %max3A_234, %sign3A_240 : i32
        %sign3A_242 = arith.extui %sign3A_241 : i1 to i32
        %sign3A_243 = arith.subi %sign3A_239, %sign3A_242 : i32
        %sign3A_244 = arith.constant 0 : i32
        %sign3A_245 = arith.cmpi sgt, %jit3A_235, %sign3A_244 : i32
        %sign3A_246 = arith.extui %sign3A_245 : i1 to i32
        %sign3A_247 = arith.constant 0 : i32
        %sign3A_248 = arith.cmpi slt, %jit3A_235, %sign3A_247 : i32
        %sign3A_249 = arith.extui %sign3A_248 : i1 to i32
        %sign3A_250 = arith.subi %sign3A_246, %sign3A_249 : i32
        %ne3A_251 = arith.cmpi ne, %sign3A_243, %sign3A_250 : i32
        %rem3A_252 = arith.remsi %max3A_234, %jit3A_235 : i32
        %ne3A_253 = arith.constant 0 : i32
        %ne3A_254 = arith.cmpi ne, %rem3A_252, %ne3A_253 : i32
        %and3A_255 = arith.andi %ne3A_251, %ne3A_254 : i1
        %sub3A_256 = arith.constant 1 : i32
        %sub3A_257 = arith.subi %div3A_236, %sub3A_256 : i32
        %select_n3A_258 = arith.select %and3A_255, %sub3A_257, %div3A_236 : i32
        %rem3A_259 = arith.constant 2 : i32
        %rem3A_260 = arith.remsi %select_n3A_258, %rem3A_259 : i32
        %rem3A_261 = arith.constant 16 : i32
        %rem3A_262 = arith.remsi %max3A_234, %rem3A_261 : i32
        %ge3A_263 = arith.constant 1 : i32
        %ge3A_264 = arith.cmpi sge, %add3A_168, %ge3A_263 : i32
        %convert_element_type3A_265 = arith.extui %ge3A_264 : i1 to i32
        %cond3A_266 = arith.constant 0 : i32
        %cond3A_267 = arith.cmpi ne, %convert_element_type3A_265, %cond3A_266 : i32
        scf.if %cond3A_267 {
          %mul3A_309 = arith.constant 16 : i32
          %mul3A_310 = arith.muli %rem3A_260, %mul3A_309 : i32
          %add3A_311 = arith.addi %mul3A_310, %rem3A_262 : i32
          %dma_wait3A_312 = arith.constant 0 : i32
          %dma_wait3A_313 = tpu.memref_slice %arg8[%add3A_311, %dma_wait3A_312] : memref<32x128xi32, #tpu.memory_space<vmem>> -> memref<1x128xi32, #tpu.memory_space<vmem>>
          %dma_wait3A_314 = tpu.memref_squeeze %dma_wait3A_313 : memref<1x128xi32, #tpu.memory_space<vmem>> -> memref<128xi32, #tpu.memory_space<vmem>>
          %dma_wait3A_315 = arith.constant 0 : i32
          %dma_wait3A_316 = arith.constant 0 : i32
          %dma_wait3A_317 = tpu.memref_slice %arg11[%dma_wait3A_315, %dma_wait3A_316] : memref<10112x128xf32, #tpu.memory_space<vmem_shared>> -> memref<10112x128xf32, #tpu.memory_space<vmem_shared>>
          tpu.wait_indirect_dma semaphore(%arg14 : memref<!tpu.dma_semaphore, #tpu.memory_space<semaphore_mem>>) src(%arg9 : memref<128x128xf32, #tpu.memory_space<vmem>>) dst(%dma_wait3A_317 : memref<10112x128xf32, #tpu.memory_space<vmem_shared>>)
        } else {
        }
        %add3A_268 = arith.constant 1 : i32
        %add3A_269 = arith.addi %add3A_168, %add3A_268 : i32
        %min3A_270 = arith.constant 159 : i32
        %min3A_271 = arith.minsi %add3A_269, %min3A_270 : i32
        %jit3A_272 = arith.constant 16 : i32
        %div3A_273 = arith.divsi %min3A_271, %jit3A_272 : i32
        %sign3A_274 = arith.constant 0 : i32
        %sign3A_275 = arith.cmpi sgt, %min3A_271, %sign3A_274 : i32
        %sign3A_276 = arith.extui %sign3A_275 : i1 to i32
        %sign3A_277 = arith.constant 0 : i32
        %sign3A_278 = arith.cmpi slt, %min3A_271, %sign3A_277 : i32
        %sign3A_279 = arith.extui %sign3A_278 : i1 to i32
        %sign3A_280 = arith.subi %sign3A_276, %sign3A_279 : i32
        %sign3A_281 = arith.constant 0 : i32
        %sign3A_282 = arith.cmpi sgt, %jit3A_272, %sign3A_281 : i32
        %sign3A_283 = arith.extui %sign3A_282 : i1 to i32
        %sign3A_284 = arith.constant 0 : i32
        %sign3A_285 = arith.cmpi slt, %jit3A_272, %sign3A_284 : i32
        %sign3A_286 = arith.extui %sign3A_285 : i1 to i32
        %sign3A_287 = arith.subi %sign3A_283, %sign3A_286 : i32
        %ne3A_288 = arith.cmpi ne, %sign3A_280, %sign3A_287 : i32
        %rem3A_289 = arith.remsi %min3A_271, %jit3A_272 : i32
        %ne3A_290 = arith.constant 0 : i32
        %ne3A_291 = arith.cmpi ne, %rem3A_289, %ne3A_290 : i32
        %and3A_292 = arith.andi %ne3A_288, %ne3A_291 : i1
        %sub3A_293 = arith.constant 1 : i32
        %sub3A_294 = arith.subi %div3A_273, %sub3A_293 : i32
        %select_n3A_295 = arith.select %and3A_292, %sub3A_294, %div3A_273 : i32
        %rem3A_296 = arith.constant 2 : i32
        %rem3A_297 = arith.remsi %select_n3A_295, %rem3A_296 : i32
        %rem3A_298 = arith.constant 16 : i32
        %rem3A_299 = arith.remsi %min3A_271, %rem3A_298 : i32
        %mul3A_300 = arith.constant 16 : i32
        %mul3A_301 = arith.muli %rem3A_297, %mul3A_300 : i32
        %add3A_302 = arith.addi %mul3A_301, %rem3A_299 : i32
        %dma_start3A_303 = arith.constant 0 : i32
        %dma_start3A_304 = tpu.memref_slice %arg7[%add3A_302, %dma_start3A_303] : memref<32x128xi32, #tpu.memory_space<vmem>> -> memref<1x128xi32, #tpu.memory_space<vmem>>
        %dma_start3A_305 = tpu.memref_squeeze %dma_start3A_304 : memref<1x128xi32, #tpu.memory_space<vmem>> -> memref<128xi32, #tpu.memory_space<vmem>>
        %dma_start3A_306 = arith.constant 0 : i32
        %dma_start3A_307 = arith.constant 0 : i32
        %dma_start3A_308 = tpu.memref_slice %arg2[%dma_start3A_306, %dma_start3A_307] : memref<10112x128xf32, #tpu.memory_space<hbm>> -> memref<10112x128xf32, #tpu.memory_space<hbm>>
        tpu.enqueue_indirect_dma source(%dma_start3A_308 : memref<10112x128xf32, #tpu.memory_space<hbm>>) target(%arg9 : memref<128x128xf32, #tpu.memory_space<vmem>>) offsets(%dma_start3A_305 : memref<128xi32, #tpu.memory_space<vmem>>) semaphore(%arg12 : memref<!tpu.dma_semaphore, #tpu.memory_space<semaphore_mem>>)
      }
      %scan3A_16 = arith.constant 80 : i32
      %dma_wait3A = arith.constant 0 : i32
      %dma_wait3A_17 = arith.constant 0 : i32
      %dma_wait3A_18 = tpu.memref_slice %arg8[%dma_wait3A, %dma_wait3A_17] : memref<32x128xi32, #tpu.memory_space<vmem>> -> memref<1x128xi32, #tpu.memory_space<vmem>>
      %dma_wait3A_19 = tpu.memref_squeeze %dma_wait3A_18 : memref<1x128xi32, #tpu.memory_space<vmem>> -> memref<128xi32, #tpu.memory_space<vmem>>
      %dma_wait3A_20 = arith.constant 0 : i32
      %dma_wait3A_21 = arith.constant 0 : i32
      %dma_wait3A_22 = tpu.memref_slice %arg11[%dma_wait3A_20, %dma_wait3A_21] : memref<10112x128xf32, #tpu.memory_space<vmem_shared>> -> memref<10112x128xf32, #tpu.memory_space<vmem_shared>>
      tpu.wait_indirect_dma semaphore(%arg15 : memref<!tpu.dma_semaphore, #tpu.memory_space<semaphore_mem>>) src(%arg10 : memref<128x128xf32, #tpu.memory_space<vmem>>) dst(%dma_wait3A_22 : memref<10112x128xf32, #tpu.memory_space<vmem_shared>>)
      %dma_wait3A_23 = arith.constant 0 : i32
      %dma_wait3A_24 = arith.constant 0 : i32
      %dma_wait3A_25 = tpu.memref_slice %arg7[%dma_wait3A_23, %dma_wait3A_24] : memref<32x128xi32, #tpu.memory_space<vmem>> -> memref<1x128xi32, #tpu.memory_space<vmem>>
      %dma_wait3A_26 = tpu.memref_squeeze %dma_wait3A_25 : memref<1x128xi32, #tpu.memory_space<vmem>> -> memref<128xi32, #tpu.memory_space<vmem>>
      %dma_wait3A_27 = arith.constant 0 : i32
      %dma_wait3A_28 = arith.constant 0 : i32
      %dma_wait3A_29 = tpu.memref_slice %arg2[%dma_wait3A_27, %dma_wait3A_28] : memref<10112x128xf32, #tpu.memory_space<hbm>> -> memref<10112x128xf32, #tpu.memory_space<hbm>>
      tpu.wait_indirect_dma semaphore(%arg12 : memref<!tpu.dma_semaphore, #tpu.memory_space<semaphore_mem>>) src(%dma_wait3A_29 : memref<10112x128xf32, #tpu.memory_space<hbm>>) dst(%arg9 : memref<128x128xf32, #tpu.memory_space<vmem>>)
    } else {
    }
    %barrier3A_7 = arith.constant 0 : index
    tpu.barrier barrier_id(%barrier3A_7)
    %eq3A_8 = arith.constant 0 : i32
    %eq3A_9 = arith.cmpi eq, %arg0, %eq3A_8 : i32
    %convert_element_type3A_10 = arith.extui %eq3A_9 : i1 to i32
    %cond3A_11 = arith.constant 0 : i32
    %cond3A_12 = arith.cmpi ne, %convert_element_type3A_10, %cond3A_11 : i32
    scf.if %cond3A_12 {
      %mul3A = arith.constant 632 : i32
      %mul3A_13 = arith.muli %arg1, %mul3A : i32
      %mul3A_14 = arith.constant 632 : i32
      %mul3A_15 = arith.muli %arg1, %mul3A_14 : i32
      %run_scoped3A = arith.constant 0 : i32
      "tpu.region"() ({
        %run_scoped3A_16 = tpu.sem_alloc : memref<!tpu.dma_semaphore, #tpu.memory_space<semaphore_mem>>
        %dma_start3A = arith.constant 0 : i32
        %dma_start3A_17 = tpu.memref_slice %arg6[%run_scoped3A, %mul3A_15, %dma_start3A] : memref<1x10112x128xf32, #tpu.memory_space<hbm>> -> memref<1x632x128xf32, #tpu.memory_space<hbm>>
        %dma_start3A_18 = tpu.memref_squeeze %dma_start3A_17 : memref<1x632x128xf32, #tpu.memory_space<hbm>> -> memref<632x128xf32, #tpu.memory_space<hbm>>
        %dma_start3A_19 = arith.constant 0 : i32
        %dma_start3A_20 = tpu.memref_slice %arg11[%mul3A_13, %dma_start3A_19] : memref<10112x128xf32, #tpu.memory_space<vmem_shared>> -> memref<632x128xf32, #tpu.memory_space<vmem_shared>>
        tpu.enqueue_dma source(%dma_start3A_20 : memref<632x128xf32, #tpu.memory_space<vmem_shared>>) target(%dma_start3A_18 : memref<632x128xf32, #tpu.memory_space<hbm>>) target_semaphore(%run_scoped3A_16 : memref<!tpu.dma_semaphore, #tpu.memory_space<semaphore_mem>>)
        %dma_wait3A = arith.constant 0 : i32
        %dma_wait3A_21 = tpu.memref_slice %arg6[%run_scoped3A, %mul3A_15, %dma_wait3A] : memref<1x10112x128xf32, #tpu.memory_space<hbm>> -> memref<1x632x128xf32, #tpu.memory_space<hbm>>
        %dma_wait3A_22 = tpu.memref_squeeze %dma_wait3A_21 : memref<1x632x128xf32, #tpu.memory_space<hbm>> -> memref<632x128xf32, #tpu.memory_space<hbm>>
        %dma_wait3A_23 = arith.constant 0 : i32
        %dma_wait3A_24 = tpu.memref_slice %arg11[%mul3A_13, %dma_wait3A_23] : memref<10112x128xf32, #tpu.memory_space<vmem_shared>> -> memref<632x128xf32, #tpu.memory_space<vmem_shared>>
        tpu.wait_dma2 semaphore(%run_scoped3A_16 : memref<!tpu.dma_semaphore, #tpu.memory_space<semaphore_mem>>) src(%dma_wait3A_24 : memref<632x128xf32, #tpu.memory_space<vmem_shared>>) dst(%dma_wait3A_22 : memref<632x128xf32, #tpu.memory_space<hbm>>)
        tpu.yield
      }) : () -> ()
    } else {
    }
    return
  }
}

#map = affine_map<(d0, d1) -> (0, 0)>
module attributes {stable_mosaic.version = 14 : i64} {
  func.func @deg_kernel(%arg0: i32, %arg1: i32, %arg2: memref<32x10240xi32, #tpu.memory_space<hbm>>, %arg3: memref<32x10112xf32, #tpu.memory_space<hbm>>, %arg4: memref<10240xi32, #tpu.memory_space<vmem>>, %arg5: memref<10112xf32, #tpu.memory_space<vmem>>) attributes {dimension_semantics = [#tpu.dimension_semantics<core_parallel>, #tpu.dimension_semantics<subcore_parallel>], iteration_bounds = array<i64: 2, 16>, scalar_prefetch = 0 : i64, scratch_operands = 2 : i64, tpu.core_type = #tpu.core_type<sc_vector_subcore>, window_params = [{transform_indices = #map}, {transform_indices = #map}]} {
    %mul3A = arith.constant 16 : i32
    %mul3A_0 = arith.muli %arg0, %mul3A : i32
    %add3A = arith.addi %mul3A_0, %arg1 : i32
    "tpu.region"() ({
      %run_scoped3A = tpu.sem_alloc : memref<!tpu.dma_semaphore, #tpu.memory_space<semaphore_mem>>
      %dma_start3A = arith.constant 0 : i32
      %dma_start3A_13 = tpu.memref_slice %arg2[%add3A, %dma_start3A] : memref<32x10240xi32, #tpu.memory_space<hbm>> -> memref<1x10240xi32, #tpu.memory_space<hbm>>
      %dma_start3A_14 = tpu.memref_squeeze %dma_start3A_13 : memref<1x10240xi32, #tpu.memory_space<hbm>> -> memref<10240xi32, #tpu.memory_space<hbm>>
      %dma_start3A_15 = arith.constant 0 : i32
      %dma_start3A_16 = tpu.memref_slice %arg2[%add3A, %dma_start3A_15] : memref<32x10240xi32, #tpu.memory_space<hbm>> -> memref<1x10240xi32, #tpu.memory_space<hbm>>
      %dma_start3A_17 = tpu.memref_squeeze %dma_start3A_16 : memref<1x10240xi32, #tpu.memory_space<hbm>> -> memref<10240xi32, #tpu.memory_space<hbm>>
      tpu.enqueue_dma source(%dma_start3A_17 : memref<10240xi32, #tpu.memory_space<hbm>>) target(%arg4 : memref<10240xi32, #tpu.memory_space<vmem>>) target_semaphore(%run_scoped3A : memref<!tpu.dma_semaphore, #tpu.memory_space<semaphore_mem>>)
      %dma_wait3A = arith.constant 0 : i32
      %dma_wait3A_18 = tpu.memref_slice %arg2[%add3A, %dma_wait3A] : memref<32x10240xi32, #tpu.memory_space<hbm>> -> memref<1x10240xi32, #tpu.memory_space<hbm>>
      %dma_wait3A_19 = tpu.memref_squeeze %dma_wait3A_18 : memref<1x10240xi32, #tpu.memory_space<hbm>> -> memref<10240xi32, #tpu.memory_space<hbm>>
      %dma_wait3A_20 = arith.constant 0 : i32
      %dma_wait3A_21 = tpu.memref_slice %arg2[%add3A, %dma_wait3A_20] : memref<32x10240xi32, #tpu.memory_space<hbm>> -> memref<1x10240xi32, #tpu.memory_space<hbm>>
      %dma_wait3A_22 = tpu.memref_squeeze %dma_wait3A_21 : memref<1x10240xi32, #tpu.memory_space<hbm>> -> memref<10240xi32, #tpu.memory_space<hbm>>
      tpu.wait_dma2 semaphore(%run_scoped3A : memref<!tpu.dma_semaphore, #tpu.memory_space<semaphore_mem>>) src(%dma_wait3A_22 : memref<10240xi32, #tpu.memory_space<hbm>>) dst(%arg4 : memref<10240xi32, #tpu.memory_space<vmem>>)
      tpu.yield
    }) : () -> ()
    %broadcast_in_dim3A = arith.constant 0.000000e+00 : f32
    %broadcast_in_dim3A_1 = vector.broadcast %broadcast_in_dim3A : f32 to vector<16xf32>
    %scan3A = arith.constant 0 : i32
    %scan3A_2 = arith.constant 632 : i32
    %scan3A_3 = arith.addi %scan3A, %scan3A_2 : i32
    %scan3A_4 = arith.constant 1 : i32
    scf.for %scan3A_13 = %scan3A to %scan3A_3 step %scan3A_4  : i32 {
      %mul3A_14 = arith.constant 1 : i32
      %mul3A_15 = arith.muli %scan3A_13, %mul3A_14 : i32
      %add3A_16 = arith.constant 0 : i32
      %add3A_17 = arith.addi %add3A_16, %mul3A_15 : i32
      %mul3A_18 = arith.constant 16 : i32
      %mul3A_19 = arith.muli %add3A_17, %mul3A_18 : i32
      %swap3A = arith.index_cast %mul3A_19 : i32 to index
      %swap3A_20 = tpu.vector_load %arg5[%swap3A] {strides = array<i32>} : memref<10112xf32, #tpu.memory_space<vmem>>, vector<16xf32>,
      tpu.vector_store %arg5[%swap3A], %broadcast_in_dim3A_1 {strides = array<i32>} : memref<10112xf32, #tpu.memory_space<vmem>>, vector<16xf32>,
    }
    %scan3A_5 = arith.constant 632 : i32
    %broadcast_in_dim3A_6 = arith.constant 1.000000e+00 : f32
    %broadcast_in_dim3A_7 = vector.broadcast %broadcast_in_dim3A_6 : f32 to vector<16xf32>
    %scan3A_8 = arith.constant 0 : i32
    %scan3A_9 = arith.constant 640 : i32
    %scan3A_10 = arith.addi %scan3A_8, %scan3A_9 : i32
    %scan3A_11 = arith.constant 1 : i32
    scf.for %scan3A_13 = %scan3A_8 to %scan3A_10 step %scan3A_11  : i32 {
      %mul3A_14 = arith.constant 1 : i32
      %mul3A_15 = arith.muli %scan3A_13, %mul3A_14 : i32
      %add3A_16 = arith.constant 0 : i32
      %add3A_17 = arith.addi %add3A_16, %mul3A_15 : i32
      %mul3A_18 = arith.constant 16 : i32
      %mul3A_19 = arith.muli %add3A_17, %mul3A_18 : i32
      %get3A = arith.index_cast %mul3A_19 : i32 to index
      %get3A_20 = tpu.vector_load %arg4[%get3A] {strides = array<i32>} : memref<10240xi32, #tpu.memory_space<vmem>>, vector<16xi32>,
      tpu.vector_store_idx %arg5[%get3A_20], %broadcast_in_dim3A_7 {add = true} : memref<10112xf32, #tpu.memory_space<vmem>>[vector<16xi32>], vector<16xf32>,
    }
    %scan3A_12 = arith.constant 640 : i32
    "tpu.region"() ({
      %run_scoped3A = tpu.sem_alloc : memref<!tpu.dma_semaphore, #tpu.memory_space<semaphore_mem>>
      %dma_start3A = arith.constant 0 : i32
      %dma_start3A_13 = tpu.memref_slice %arg3[%add3A, %dma_start3A] : memref<32x10112xf32, #tpu.memory_space<hbm>> -> memref<1x10112xf32, #tpu.memory_space<hbm>>
      %dma_start3A_14 = tpu.memref_squeeze %dma_start3A_13 : memref<1x10112xf32, #tpu.memory_space<hbm>> -> memref<10112xf32, #tpu.memory_space<hbm>>
      %dma_start3A_15 = arith.constant 0 : i32
      %dma_start3A_16 = tpu.memref_slice %arg3[%add3A, %dma_start3A_15] : memref<32x10112xf32, #tpu.memory_space<hbm>> -> memref<1x10112xf32, #tpu.memory_space<hbm>>
      %dma_start3A_17 = tpu.memref_squeeze %dma_start3A_16 : memref<1x10112xf32, #tpu.memory_space<hbm>> -> memref<10112xf32, #tpu.memory_space<hbm>>
      tpu.enqueue_dma source(%arg5 : memref<10112xf32, #tpu.memory_space<vmem>>) target(%dma_start3A_17 : memref<10112xf32, #tpu.memory_space<hbm>>) target_semaphore(%run_scoped3A : memref<!tpu.dma_semaphore, #tpu.memory_space<semaphore_mem>>)
      %dma_wait3A = arith.constant 0 : i32
      %dma_wait3A_18 = tpu.memref_slice %arg3[%add3A, %dma_wait3A] : memref<32x10112xf32, #tpu.memory_space<hbm>> -> memref<1x10112xf32, #tpu.memory_space<hbm>>
      %dma_wait3A_19 = tpu.memref_squeeze %dma_wait3A_18 : memref<1x10112xf32, #tpu.memory_space<hbm>> -> memref<10112xf32, #tpu.memory_space<hbm>>
      %dma_wait3A_20 = arith.constant 0 : i32
      %dma_wait3A_21 = tpu.memref_slice %arg3[%add3A, %dma_wait3A_20] : memref<32x10112xf32, #tpu.memory_space<hbm>> -> memref<1x10112xf32, #tpu.memory_space<hbm>>
      %dma_wait3A_22 = tpu.memref_squeeze %dma_wait3A_21 : memref<1x10112xf32, #tpu.memory_space<hbm>> -> memref<10112xf32, #tpu.memory_space<hbm>>
      tpu.wait_dma2 semaphore(%run_scoped3A : memref<!tpu.dma_semaphore, #tpu.memory_space<semaphore_mem>>) src(%arg5 : memref<10112xf32, #tpu.memory_space<vmem>>) dst(%dma_wait3A_22 : memref<10112xf32, #tpu.memory_space<hbm>>)
      tpu.yield
    }) : () -> ()
    return
  }
}

module attributes {stable_mosaic.version = 14 : i64} {
  func.func @body(%arg0: memref<10112x128xf32, #tpu.memory_space<vmem>>, %arg1: memref<32x10112xf32, #tpu.memory_space<vmem>>, %arg2: memref<10112x128xf32, #tpu.memory_space<vmem>>, %arg3: memref<10112x1xf32, #tpu.memory_space<vmem>>) attributes {dimension_semantics = [], scalar_prefetch = 0 : i64, scratch_operands = 0 : i64, tpu.core_type = #tpu.core_type<tc>} {
    %get3A = arith.constant 0 : index
    %get3A_0 = arith.constant 0 : index
    %get3A_1 = vector.load %arg1[%get3A, %get3A_0] : memref<32x10112xf32, #tpu.memory_space<vmem>>, vector<32x10112xf32>
    %reduce_sum3A = arith.constant dense<0.000000e+00> : vector<10112xf32>
    %reduce_sum3A_2 = vector.multi_reduction <add>, %get3A_1, %reduce_sum3A [0] : vector<32x10112xf32> to vector<10112xf32>
    %add3A = arith.constant 1.000000e+00 : f32
    %add3A_3 = vector.broadcast %add3A : f32 to vector<10112xf32>
    %add3A_4 = arith.addf %add3A_3, %reduce_sum3A_2 : vector<10112xf32>
    %rsqrt3A = math.rsqrt %add3A_4 : vector<10112xf32>
    %broadcast_in_dim3A = vector.shape_cast %rsqrt3A : vector<10112xf32> to vector<10112x1xf32>
    %swap3A = arith.constant 0 : index
    %swap3A_5 = arith.constant 0 : index
    %swap3A_6 = vector.load %arg3[%swap3A, %swap3A_5] : memref<10112x1xf32, #tpu.memory_space<vmem>>, vector<10112x1xf32>
    tpu.vector_store %arg3[%swap3A, %swap3A_5], %broadcast_in_dim3A {strides = array<i32>} : memref<10112x1xf32, #tpu.memory_space<vmem>>, vector<10112x1xf32>,
    %get3A_7 = arith.constant 0 : index
    %get3A_8 = arith.constant 0 : index
    %get3A_9 = vector.load %arg0[%get3A_7, %get3A_8] : memref<10112x128xf32, #tpu.memory_space<vmem>>, vector<10112x128xf32>
    %broadcast_in_dim3A_10 = vector.shape_cast %rsqrt3A : vector<10112xf32> to vector<10112x1xf32>
    %mul3A = vector.broadcast %broadcast_in_dim3A_10 : vector<10112x1xf32> to vector<10112x128xf32>
    %mul3A_11 = arith.mulf %get3A_9, %mul3A : vector<10112x128xf32>
    %swap3A_12 = arith.constant 0 : index
    %swap3A_13 = arith.constant 0 : index
    %swap3A_14 = vector.load %arg2[%swap3A_12, %swap3A_13] : memref<10112x128xf32, #tpu.memory_space<vmem>>, vector<10112x128xf32>
    tpu.vector_store %arg2[%swap3A_12, %swap3A_13], %mul3A_11 {strides = array<i32>} : memref<10112x128xf32, #tpu.memory_space<vmem>>, vector<10112x128xf32>,
    return
  }
}

module attributes {stable_mosaic.version = 14 : i64} {
  func.func @body(%arg0: i32, %arg1: memref<1x2000x128xf32, #tpu.memory_space<vmem>>, %arg2: memref<2000x128xf32, #tpu.memory_space<vmem>>, %arg3: memref<2000x1xf32, #tpu.memory_space<vmem>>, %arg4: memref<128x128xf32, #tpu.memory_space<vmem>>, %arg5: memref<1x128xf32, #tpu.memory_space<vmem>>, %arg6: memref<2000x128xf32, #tpu.memory_space<vmem>>) attributes {dimension_semantics = [#tpu.dimension_semantics<arbitrary>], iteration_bounds = array<i64: 5>, scalar_prefetch = 0 : i64, scratch_operands = 0 : i64, tpu.core_type = #tpu.core_type<tc>, window_params = [{transform_indices = @transform_0, window_bounds = array<i64: 1, 2000, 128>}, {transform_indices = @transform_1, window_bounds = array<i64: 2000, 128>}, {transform_indices = @transform_2, window_bounds = array<i64: 2000, 1>}, {pipeline_mode = #tpu.pipeline_mode<synchronous>, transform_indices = @transform_3, window_bounds = array<i64: 128, 128>}, {pipeline_mode = #tpu.pipeline_mode<synchronous>, transform_indices = @transform_4, window_bounds = array<i64: 1, 128>}, {transform_indices = @transform_5, window_bounds = array<i64: 2000, 128>}]} {
    %get3A = arith.constant 0 : index
    %get3A_0 = arith.constant 0 : index
    %get3A_1 = arith.constant 0 : index
    %get3A_2 = vector.load %arg1[%get3A, %get3A_0, %get3A_1] : memref<1x2000x128xf32, #tpu.memory_space<vmem>>, vector<1x2000x128xf32>
    %get3A_3 = vector.shape_cast %get3A_2 : vector<1x2000x128xf32> to vector<2000x128xf32>
    %get3A_4 = arith.constant 0 : index
    %get3A_5 = arith.constant 0 : index
    %get3A_6 = vector.load %arg2[%get3A_4, %get3A_5] : memref<2000x128xf32, #tpu.memory_space<vmem>>, vector<2000x128xf32>
    %add3A = arith.addf %get3A_3, %get3A_6 : vector<2000x128xf32>
    %get3A_7 = arith.constant 0 : index
    %get3A_8 = arith.constant 0 : index
    %get3A_9 = vector.load %arg3[%get3A_7, %get3A_8] : memref<2000x1xf32, #tpu.memory_space<vmem>>, vector<2000x1xf32>
    %mul3A = vector.broadcast %get3A_9 : vector<2000x1xf32> to vector<2000x128xf32>
    %mul3A_10 = arith.mulf %add3A, %mul3A : vector<2000x128xf32>
    %get3A_11 = arith.constant 0 : index
    %get3A_12 = arith.constant 0 : index
    %get3A_13 = vector.load %arg4[%get3A_11, %get3A_12] : memref<128x128xf32, #tpu.memory_space<vmem>>, vector<128x128xf32>
    %dot_general3A = arith.constant dense<0.000000e+00> : vector<2000x128xf32>
    %dot_general3A_14 = tpu.matmul %mul3A_10, %get3A_13, %dot_general3A {dimension_numbers = #tpu.dot_dimension_numbers<[1], [0], [0], [1], [0, 0, 1, 1], [], []>, transpose_lhs_hint = false} : vector<2000x128xf32>, vector<128x128xf32>, vector<2000x128xf32> -> vector<2000x128xf32>
    %get3A_15 = arith.constant 0 : index
    %get3A_16 = arith.constant 0 : index
    %get3A_17 = vector.load %arg5[%get3A_15, %get3A_16] : memref<1x128xf32, #tpu.memory_space<vmem>>, vector<1x128xf32>
    %get3A_18 = vector.shape_cast %get3A_17 : vector<1x128xf32> to vector<128xf32>
    %broadcast_in_dim3A = vector.shape_cast %get3A_18 : vector<128xf32> to vector<1x128xf32>
    %add3A_19 = vector.broadcast %broadcast_in_dim3A : vector<1x128xf32> to vector<2000x128xf32>
    %add3A_20 = arith.addf %dot_general3A_14, %add3A_19 : vector<2000x128xf32>
    %swap3A = arith.constant 0 : index
    %swap3A_21 = arith.constant 0 : index
    %swap3A_22 = vector.load %arg6[%swap3A, %swap3A_21] : memref<2000x128xf32, #tpu.memory_space<vmem>>, vector<2000x128xf32>
    tpu.vector_store %arg6[%swap3A, %swap3A_21], %add3A_20 {strides = array<i32>} : memref<2000x128xf32, #tpu.memory_space<vmem>>, vector<2000x128xf32>,
    return
  }
  func.func @transform_0(%arg0: i32) -> (i32, i32, i32) {
    %c0_i32 = arith.constant 0 : i32
    %c0_i32_0 = arith.constant 0 : i32
    %c0_i32_1 = arith.constant 0 : i32
    return %c0_i32, %arg0, %c0_i32_0 : i32, i32, i32
  }
  func.func @transform_1(%arg0: i32) -> (i32, i32) {
    %c0_i32 = arith.constant 0 : i32
    %c0_i32_0 = arith.constant 0 : i32
    return %arg0, %c0_i32 : i32, i32
  }
  func.func @transform_2(%arg0: i32) -> (i32, i32) {
    %c0_i32 = arith.constant 0 : i32
    %c0_i32_0 = arith.constant 0 : i32
    return %arg0, %c0_i32 : i32, i32
  }
  func.func @transform_3(%arg0: i32) -> (i32, i32) {
    %c0_i32 = arith.constant 0 : i32
    %c0_i32_0 = arith.constant 0 : i32
    %c0_i32_1 = arith.constant 0 : i32
    return %c0_i32, %c0_i32_0 : i32, i32
  }
  func.func @transform_4(%arg0: i32) -> (i32, i32) {
    %c0_i32 = arith.constant 0 : i32
    %c0_i32_0 = arith.constant 0 : i32
    %c0_i32_1 = arith.constant 0 : i32
    return %c0_i32, %c0_i32_0 : i32, i32
  }
  func.func @transform_5(%arg0: i32) -> (i32, i32) {
    %c0_i32 = arith.constant 0 : i32
    %c0_i32_0 = arith.constant 0 : i32
    return %arg0, %c0_i32 : i32, i32
  }
}

</mosaic_0001>

<sc_bundles>
// kernel: kernel.6.cloned.1.call-start
scs
__scs_entry_jumppad:
0x0: {  	(pc) =	sbr.rel $0x88, $3  }
0x1: {  	(tag) =	ssettag $0x0;
	lr =	simm.s32 $0x1  }
0x2: {  	[smem:$0x3F9D] =	sst lr;
	_ =	strace $0xD0000000  }
0x3: {  	_ = 	snop  }
0x4: {  	_ = 	snop  }
0x5: {  	_ = 	snop  }
0x6: {  	_ = 	snop  }
0x7: {  	_ = 	snop  }
__scs_overlays_trampoline_lowered:
0x8: {  	[smem:$0x3FAC] =	sst s0  }
0x9: {  	[smem:$0x3FAD] =	sst s1  }
0xa: {  	[smem:$0x3FAE] =	sst s2  }
0xb: {  	[smem:$0x3FAF] =	sst s3  }
0xc: {  	[smem:$0x3FB0] =	sst s4  }
0xd: {  	[smem:$0x3FB1] =	sst s5  }
0xe: {  	[smem:$0x3FB2] =	sst s6  }
0xf: {  	[smem:$0x3FB3] =	sst s7  }
0x10: {  	[smem:$0x3FB4] =	sst s8  }
0x11: {  	[smem:$0x3FB5] =	sst s9;
	s0 =	simm.s32 @!p0 $0x0  }
0x12: {  	s1 =	sld [smem:$0x3F9B];
	s0 =	simm.s32 @p0 $0x1  }
0x13: {  	[smem:$0x3FB6] =	sst s0;
	s0 =	simm.s32 @!p1 $0x0  }
0x14: {  	s2 =	sld [smem:$0x3F9A];
	s0 =	simm.s32 @p1 $0x1  }
0x15: {  	[smem:$0x3FB7] =	sst s0;
	s0 =	simm.s32 @!p2 $0x0  }
0x16: {  	s3 =	sld [smem:$0x3FDB];
	s0 =	simm.s32 @p2 $0x1  }
0x17: {  	s4 =	simm.s32 $0x1BF5;
	[smem:$0x3FB9] =	sst s0  }
0x18: {  	s0 =	sld [smem:$0x3F9C];
	_ =	swait.ge [sflag:s4], $0x0  }
0x19: {  	s7 =	sld [smem:$0x3F9D]  }
0x1a: {  	s8 =	sadd.s32 $0xFFFFE003, lr  }
0x1b: {  	s9 =	sadd.s32 $0xFFFFFEF7, lr;
	s5 =	simm.s32 $0xFFFFFFFF;
	p2 =	slt.u32 s8, $0xFFFFF086  }
0x1c: {  	p1 =	slt.u32 s9, $0xF7A;
	s5 =	simm.s32 @!p2 $0x0  }
0x1d: {  	s5 =	simm.s32 @p1 $0x1;
	p0 =	seq.s32 s7, s2  }
0x1e: {  	s7 =	smul.u32 @!p0 $0xF7A, s2;
	p2 =	seq.s32 @!p0 s5, $0x0  }
0x1f: {  	s9 =	smul.u32 $0xF7A, s1;
	s8 =	simm.s32 @!p0 $0x1BF5;
	p2 =	por !p2, p0  }
0x20: {  	[sflag:s8] =	ssyncset.s32 @!p0 $0xFFFFF086;
	s6 =	sadd.s32 @!p0 s3, s7;
	s7 =	simm.s32 @!p0 $0x108  }
0x21: {  	s3 =	sadd.s32 s3, s9;
	s6 =	sadd.s32 @!p0 $0x88, s6;
	s7 =	simm.s32 @p2 $0x1082  }
0x22: {  	[simem:s7], [sflag:s8] =	dma.local @!p0 [hbm:s6], $0xF7A  }
0x23: {  	s9 =	sor.u32 $0xD0000000, s2;
	s6 =	simm.s32 $0x108;
	_ =	swait.ge @!p0 [sflag:s8], $0x0  }
0x24: {  	s3 =	sadd.s32 $0x88, s3;
	s6 =	simm.s32 @!p1 $0x1082;
	[sflag:s4] =	ssyncset.s32 $0xFFFFF086  }
0x25: {  	[simem:s6], [sflag:s4] =	dma.local [hbm:s3], $0xF7A  }
0x26: {  	[smem:$0x3F9D] =	sst s1;
	(tag) =	ssettag s2;
	_ =	strace s9  }
0x27: {  	s1 =	sld [smem:$0x3FAD]  }
0x28: {  	s2 =	sld [smem:$0x3FAE]  }
0x29: {  	s4 =	sld [smem:$0x3FB0]  }
0x2a: {  	p0 =	seq.s32 s5, $0x0;
	s5 =	sld [smem:$0x3FB1]  }
0x2b: {  	s6 =	sld [smem:$0x3FB2]  }
0x2c: {  	s7 =	sld [smem:$0x3FB3]  }
0x2d: {  	s3 =	simm.s32 $0x108;
	s8 =	sld [smem:$0x3FB4]  }
0x2e: {  	s3 =	simm.s32 @!p0 $0x1082;
	s9 =	sld [smem:$0x3FB5]  }
0x2f: {  	lr =	sadd.s32 s0, s3;
	s0 =	sld [smem:$0x3FAC]  }
0x30: {  	s3 =	sld [smem:$0x3FAF]  }
0x31: {  	[smem:$0x3FB8] =	sst s10  }
0x32: {  	s10 =	sld [smem:$0x3FB6];
	_ =	sdelay $0x3  }
0x33: {  	p0 =	seq.s32 s10, $0x1;
	s10 =	sld [smem:$0x3FB8];
	_ =	sdelay $0x3  }
0x34: {  	[smem:$0x3FB8] =	sst s10  }
0x35: {  	s10 =	sld [smem:$0x3FB7];
	_ =	sdelay $0x3  }
0x36: {  	p1 =	seq.s32 s10, $0x1;
	s10 =	sld [smem:$0x3FB8];
	_ =	sdelay $0x3  }
0x37: {  	[smem:$0x3FB8] =	sst s10  }
0x38: {  	s10 =	sld [smem:$0x3FB9]  }
0x39: {  	_ = 	snop;
	(pc) =	sbr.ind lr, $3  }
0x3a: {  	_ = 	snop  }
0x3b: {  	_ = 	snop  }
0x3c: {  	p2 =	seq.s32 s10, $0x1;
	s10 =	sld [smem:$0x3FB8]  }
0x3d: {  	_ =	shalt  }
0x3e: {  	_ =	shalt  }
0x3f: {  	_ =	shalt  }
0x40: {  	_ =	shalt  }
0x41: {  	_ =	shalt  }
0x42: {  	_ =	shalt  }
0x43: {  	_ =	shalt  }
0x44: {  	_ =	shalt  }
0x45: {  	_ =	shalt  }
0x46: {  	_ =	shalt  }
0x47: {  	_ =	shalt  }
0x48: {  	_ =	shalt  }
0x49: {  	_ =	shalt  }
0x4a: {  	_ =	shalt  }
0x4b: {  	_ =	shalt  }
0x4c: {  	_ =	shalt  }
0x4d: {  	_ =	shalt  }
0x4e: {  	_ =	shalt  }
0x4f: {  	_ =	shalt  }
0x50: {  	_ =	shalt  }
0x51: {  	_ =	shalt  }
0x52: {  	_ =	shalt  }
0x53: {  	_ =	shalt  }
0x54: {  	_ =	shalt  }
0x55: {  	_ =	shalt  }
0x56: {  	_ =	shalt  }
0x57: {  	_ =	shalt  }
0x58: {  	_ =	shalt  }
0x59: {  	_ =	shalt  }
0x5a: {  	_ =	shalt  }
0x5b: {  	_ =	shalt  }
0x5c: {  	_ =	shalt  }
0x5d: {  	_ =	shalt  }
0x5e: {  	_ =	shalt  }
0x5f: {  	_ =	shalt  }
0x60: {  	_ =	shalt  }
0x61: {  	_ =	shalt  }
0x62: {  	_ =	shalt  }
0x63: {  	_ =	shalt  }
0x64: {  	_ =	shalt  }
0x65: {  	_ =	shalt  }
0x66: {  	_ =	shalt  }
0x67: {  	_ =	shalt  }
0x68: {  	_ =	shalt  }
0x69: {  	_ =	shalt  }
0x6a: {  	_ =	shalt  }
0x6b: {  	_ =	shalt  }
0x6c: {  	_ =	shalt  }
0x6d: {  	_ =	shalt  }
0x6e: {  	_ =	shalt  }
0x6f: {  	_ =	shalt  }
0x70: {  	_ =	shalt  }
0x71: {  	_ =	shalt  }
0x72: {  	_ =	shalt  }
0x73: {  	_ =	shalt  }
0x74: {  	_ =	shalt  }
0x75: {  	_ =	shalt  }
0x76: {  	_ =	shalt  }
0x77: {  	_ =	shalt  }
0x78: {  	_ =	shalt  }
0x79: {  	_ =	shalt  }
0x7a: {  	_ =	shalt  }
0x7b: {  	_ =	shalt  }
0x7c: {  	_ =	shalt  }
0x7d: {  	_ =	shalt  }
0x7e: {  	_ =	shalt  }
0x7f: {  	_ =	shalt  }
0x80: {  	_ =	shalt  }
0x81: {  	_ =	shalt  }
0x82: {  	_ =	shalt  }
0x83: {  	_ =	shalt  }
0x84: {  	_ =	shalt  }
0x85: {  	_ =	shalt  }
0x86: {  	_ =	shalt  }
0x87: {  	_ =	shalt  }
.Lfunc_end0:
.L_simem_size_0:
called_computation_lowered:
.L_overlay_start_0:
0x88: {  	s2 =	sld [smem:$0x3FD9]  }
0x89: {  	s3 =	sld [smem:$0x3FFE];
	_ =	sdelay $0x1  }
0x8a: {  	s1 =	srdreg.scid  }
0x8b: {  	s0 =	sand.u32 $0x1, s1  }
0x8c: {  	s17 =	sshll.u32 s0, $0xA;
	s2 =	sadd.s32 s3, s2  }
0x8d: {  	s2 =	sadd.s32 s2, s17  }
0x8e: {  	[smem:$0x3FC4] =	sst s2  }
0x8f: {  	_ = 	snop  }
0x90: {  	s2 =	sld [smem:$0x3FD0];
	(tm) =	ssettm $0x1  }
0x91: {  	s18 =	sld [smem:$0x3FFB];
	_ =	sdelay $0x3  }
0x92: {  	_ =	strace s18  }
0x93: {  	s3 =	sld [smem:$0x3FFC];
	_ =	sdelay $0x3  }
0x94: {  	_ =	strace s3  }
0x95: {  	s3 =	sld [smem:$0x3FFD];
	_ =	sdelay $0x3  }
0x96: {  	_ =	strace s3  }
0x97: {  	_ =	strace $0x8FFFFFFF  }
0x98: {  	s19 =	sld [smem:$0x3FDB];
	_ =	sdelay $0x1  }
0x99: {  	s4 =	simm.s32 $_scs_section_size  }
0x9a: {  	s5 =	simm.s32 $_size__tile_overlayer_lowered;
	s6 =	simm.s32 $_tile_overlayer_lowered  }
0x9b: {  	s22 =	simm.s32 $0x1BFF;
	s21 =	sshll.u32 s6, $0x1;
	s3 =	sadd.s32 s4, s19  }
0x9c: {  	s7 =	simm.s32 $0x0;
	s20 =	sshll.u32 s5, $0x1;
	s5 =	sadd.s32 s21, s3  }
0x9d: {  	[timem:s7], [sflag:s22] =	dma.local [hbm:s5], s20  }
0x9e: {  	_ =	swait.ge [sflag:s22], s20  }
0x9f: {  	s4 =	ssub.s32 $0x0, s20;
	[sflag:s22] =	ssyncset.done $0x0  }
0xa0: {  	[sflag:s22] =	ssyncadd.s32 s4;
	_ =	sdelay $0x1  }
0xa1: {  	s23 =	simm.s32 $0x1B8B  }
0xa2: {  	_ =	swait.ge [sflag:s23], $0x1  }
0xa3: {  	[sflag:s23] =	ssyncset.done $0x0  }
0xa4: {  	s25 =	simm.s32 $0x1B8E;
	s24 =	sld [smem:$0x3FFE];
	[sflag:s23] =	ssyncadd.s32 $0xFFFFFFFF  }
0xa5: {  	s26 =	simm.s32 $execute0_lowered;
	[smem:$0x3FD2] =	sst s25  }
0xa6: {  	s5 =	sshll.u32 s26, $0x1;
	_ =	strace $0x80000046;
	[dreg:$0x1] =	wrdreg $0xFFFFFFFF  }
0xa7: {  	s28 =	simm.s32 $_size_execute0_lowered;
	s3 =	sadd.s32 s3, s5;
	[dreg:$0x0] =	wrdreg $0x0  }
0xa8: {  	s5 =	sshll.u32 s28, $0x1;
	[dreg:$0x2] =	wrdreg s3  }
0xa9: {  	[dreg:$0x3] =	wrdreg s5  }
0xaa: {  	[dreg:$0x4] =	wrdreg $0xC0  }
0xab: {  	_ =	task [dreg:s7], $0x5FFFF  }
0xac: {  	[dreg:$0x1] =	wrdreg $0xFFFFFFFF  }
0xad: {  	[dreg:$0x0] =	wrdreg $0x60  }
0xae: {  	[dreg:$0x2] =	wrdreg s2  }
0xaf: {  	[dreg:$0x3] =	wrdreg s24  }
0xb0: {  	[dreg:$0x4] =	wrdreg $0x9  }
0xb1: {  	_ =	task.clear_ibuf [dreg:s7], $0x5FFFF;
	_ =	strace $0x90000046  }
0xb2: {  	s29 =	simm.s32 $0x9;
	_ =	strace $0x80000048  }
0xb3: {  	_ =	swait.ge [sflag:s29], $0x1  }
0xb4: {  	[sflag:s29] =	ssyncadd.s32 $0xFFFFFFFF  }
0xb5: {  	_ =	strace $0x90000048  }
0xb6: {  	_ =	sfence  }
0xb7: {  	s30 =	sld [smem:$0x0];
	_ =	sdelay $0x2  }
0xb8: {  	s31 =	sshll.u32 s1, $0xD;
	s1 =	sshrl.u32 s1, $0x2  }
0xb9: {  	s3 =	sand.u32 $0x4000, s31;
	s1 =	sadd.s32 s1, s30  }
0xba: {  	s0 =	sor.u32 s3, s0;
	s1 =	sshll.u32 s1, $0x11  }
0xbb: {  	s0 =	sor.u32 s1, s0  }
0xbc: {  	s0 =	sadd.s32 $0x8F2B, s0  }
0xbd: {  	[sflag:s0] =	ssyncadd.remote.s32 $0x1  }
0xbe: {  	_ =	sfence.sel $0xFFFF  }
0xbf: {  	[dreg:$0x0] =	wrdreg $0xFFFFFFFF;
	(pc) =	sbr.abs _section_cstart, $3  }
0xc0: {  	[dreg:$0x1] =	wrdreg $0xFFFFFFFF  }
0xc1: {  	_ =	task.clear_ibuf [dreg:s7], $0x2FFFF;
	_ =	strace $0x9FFFFFFF  }
0xc2: {  	(tm) =	ssettm $0x7FFFFFFF  }
0xc3: {  	_ =	shalt  }
tec
execute0_lowered:
.L_overlay_start_1:
0x0: {  	(tag) =	ssettag $0x1  }
0x1: {  	s0 =	srdreg.scid  }
0x2: {  	s3 =	sand.u32 $0x1, s0  }
0x3: {  	s4 =	rddreg [dreg:$0x0];
	s0 =	stileid.u32;
	s1 =	sshll.u32 s3, $0x4  }
0x4: {  	s5 =	rddreg [dreg:$0x1];
	s9 =	simm.s32 $0x2800;
	s2 =	sor.u32 s0, s1  }
0x5: {  	s10 =	simm.s32 $0x0;
	s7 =	sshll.u32 s0, $0x7;
	s6 =	sshrl.u32 s2, $0x3  }
0x6: {  	s3 =	ssub.s32 $0x2, s3;
	s1 =	rddreg [dreg:$0x2];
	s8 =	smul.u32 $0x13C00, s6  }
0x7: {  	s7 =	sand.u32 $0x380, s7;
	s2 =	simm.s32 $0x0;
	s6 =	smul.u32 $0x14000, s6  }
0x8: {  	s31 =	sshrl.u32 s3, $0x1;
	[smem:$0x7FF] =	sst s2;
	s8 =	sor.u32 s7, s8  }
0x9: {  	_ =	strace $0x80000047;
	s6 =	sor.u32 s7, s6;
	s8 =	sshrl.u32 s8, $0x3  }
0xa: {  	s7 =	ssub.s32 s3, s31;
	s6 =	sshrl.u32 s6, $0x3;
	s5 =	sadd.s32 s8, s5  }
0xb: {  	s3 =	sadd.s32 s4, s6;
	s6 =	simm.s32 $0x80;
	s8 =	simm.s32 $0x1  }
0xc: {  	v0 =	vimm.f32 $0.0e+00;
	v1 =	vimm.f32 $1.000000000e+00;
	s4 =	sadd.s32 $0xB800, s5;
	s5 =	smax.u32 s7, $0x1;
	s7 =	simm.s32 $0x400  }
.LBB2_1:
0xd: {  	[tilespmem:s2], [sflag:$0x1] =	stream.strided.gather [hbm4b:s3+s6], $0x2800, s7, s6, $0x38;
	[tilespmem:$0x4F80] =	vst v63  }
0xe: {  	_ =	swait.ge [sflag:s8], $0x2800  }
0xf: {  	[sflag:s8] =	ssyncset.done $0x0  }
0x10: {  	s11 =	simm.s32 $0x0;
	[sflag:s8] =	ssyncadd.s32 $0xFFFFD800  }
.LBB2_2:
0x11: {  	p0 =	sne.s32 s11, $0x9DC0  }
.Ltmp0:
0x12: {  	_ = 	snop;
	(pc) =	sbr.rel @p0 .LBB2_2-.Ltmp0, $3  }
0x13: {  	_ =	sdelay $0x1  }
0x14: {  	s12 =	sshra.s32 s11, $0x2  }
0x15: {  	s11 =	sadd.s32 $0x40, s11;
	[tilespmem:s12+$0x2800] =	vst v0  }
0x16: {  	s12 =	simm.s32 $0x0;
	s11 =	simm.s32 $0x40  }
.LBB2_4:
0x17: {  	p0 =	sne.s32 s11, $0x9FC0;
	v2 =	vld [tilespmem:s12+$0x0];
	_ =	sdelay $0x3  }
.Ltmp1:
0x18: {  	(pc) =	sbr.rel @p0 .LBB2_4-.Ltmp1, $2  }
0x19: {  	_ =	sdelay $0x2  }
0x1a: {  	s12 =	sshra.s32 s11, $0x2;
	s11 =	sadd.s32 $0x40, s11;
	[tilespmem:v2+s9+$0x0] =	vst.idx.add.f32.msk $0xffff, v1  }
0x1b: {  	v2 =	vld [tilespmem:s12+$0x0];
	_ =	sdelay $0x5  }
0x1c: {  	s10 =	sadd.s32 $0x1, s10  }
0x1d: {  	p0 =	sne.s32 s10, s5  }
.Ltmp2:
0x1e: {  	[tilespmem:v2+s9+$0x0] =	vst.idx.add.f32.msk $0xffff, v1;
	(pc) =	sbr.rel @p0 .LBB2_1-.Ltmp2, $4  }
0x1f: {  	[hbm4b:s4+s6] =	stream.strided.scatter [tilespmem:s9], [sflag:$0x1], $0x2780, s7, s6, $0x38;
	[tilespmem:$0x4F80] =	vst v63  }
0x20: {  	_ =	swait.ge [sflag:s8], $0x2780  }
0x21: {  	[sflag:s8] =	ssyncset.done $0x0  }
0x22: {  	[sflag:s8] =	ssyncadd.s32 $0xFFFFD880  }
0x23: {  	_ =	sfence.sel $0x180000  }
0x24: {  	[bflag:$0x0] =	sbarrier.arrive $0xFFFF  }
0x25: {  	p0 =	sne.s32 s0, $0x0;
	_ =	strace $0x90000047  }
0x26: {  	s0 =	sadd.s32 @!p0 $0x100000, s1;
	[bflag:$0x2] =	sbarrier.arrive $0xFFFF  }
0x27: {  	[sflag:s0] =	ssyncadd.tile.s32 @!p0 $0x1;
	_ =	shalt  }
.Lfunc_end2:
_tile_overlayer_lowered:
.L_overlay_start_2:
0x28: {  	(tag) =	ssettag $0x2  }
0x29: {  	s0 =	rddreg [dreg:$0x0];
	s2 =	stileid.u32  }
0x2a: {  	s1 =	rddreg [dreg:$0x1];
	p0 =	sne.s32 s2, $0x0  }
0x2b: {  	s3 =	rddreg [dreg:$0x2];
	[bflag:$0x3] =	sbarrier.arrive $0xFFFF;
	s2 =	simm.s32 @!p0 $0x1C01  }
0x2c: {  	[timem:s3], [sflag:s2] =	dma.local @!p0 [hbm:s0], s1  }
0x2d: {  	s0 =	simm.s32 @!p0 $0x1  }
0x2e: {  	_ =	swait.ge @!p0 [sflag:s0], s1  }
0x2f: {  	s1 =	ssub.s32 @!p0 $0x0, s1;
	[sflag:s0] =	ssyncset.done @!p0 $0x0  }
0x30: {  	[sflag:s0] =	ssyncadd.s32 @!p0 s1  }
0x31: {  	[bflag:$0x3] =	sbarrier.arrive $0xFFFF  }
0x32: {  	_ =	shalt  }

// kernel: kernel.9.cloned.1.call-start
scs
__scs_entry_jumppad:
0x0: {  	(pc) =	sbr.rel $0x88, $3  }
0x1: {  	(tag) =	ssettag $0x0;
	lr =	simm.s32 $0x1  }
0x2: {  	[smem:$0x3F9D] =	sst lr;
	_ =	strace $0xD0000000  }
0x3: {  	_ = 	snop  }
0x4: {  	_ = 	snop  }
0x5: {  	_ = 	snop  }
0x6: {  	_ = 	snop  }
0x7: {  	_ = 	snop  }
__scs_overlays_trampoline_lowered:
0x8: {  	[smem:$0x3FAC] =	sst s0  }
0x9: {  	[smem:$0x3FAD] =	sst s1  }
0xa: {  	[smem:$0x3FAE] =	sst s2  }
0xb: {  	[smem:$0x3FAF] =	sst s3  }
0xc: {  	[smem:$0x3FB0] =	sst s4  }
0xd: {  	[smem:$0x3FB1] =	sst s5  }
0xe: {  	[smem:$0x3FB2] =	sst s6  }
0xf: {  	[smem:$0x3FB3] =	sst s7  }
0x10: {  	[smem:$0x3FB4] =	sst s8  }
0x11: {  	[smem:$0x3FB5] =	sst s9;
	s0 =	simm.s32 @!p0 $0x0  }
0x12: {  	s1 =	sld [smem:$0x3F9B];
	s0 =	simm.s32 @p0 $0x1  }
0x13: {  	[smem:$0x3FB6] =	sst s0;
	s0 =	simm.s32 @!p1 $0x0  }
0x14: {  	s2 =	sld [smem:$0x3F9A];
	s0 =	simm.s32 @p1 $0x1  }
0x15: {  	[smem:$0x3FB7] =	sst s0;
	s0 =	simm.s32 @!p2 $0x0  }
0x16: {  	s3 =	sld [smem:$0x3FDB];
	s0 =	simm.s32 @p2 $0x1  }
0x17: {  	s4 =	simm.s32 $0x1BF5;
	[smem:$0x3FB9] =	sst s0  }
0x18: {  	s0 =	sld [smem:$0x3F9C];
	_ =	swait.ge [sflag:s4], $0x0  }
0x19: {  	s7 =	sld [smem:$0x3F9D]  }
0x1a: {  	s8 =	sadd.s32 $0xFFFFE003, lr  }
0x1b: {  	s9 =	sadd.s32 $0xFFFFFEF7, lr;
	s5 =	simm.s32 $0xFFFFFFFF;
	p2 =	slt.u32 s8, $0xFFFFF086  }
0x1c: {  	p1 =	slt.u32 s9, $0xF7A;
	s5 =	simm.s32 @!p2 $0x0  }
0x1d: {  	s5 =	simm.s32 @p1 $0x1;
	p0 =	seq.s32 s7, s2  }
0x1e: {  	s7 =	smul.u32 @!p0 $0xF7A, s2;
	p2 =	seq.s32 @!p0 s5, $0x0  }
0x1f: {  	s9 =	smul.u32 $0xF7A, s1;
	s8 =	simm.s32 @!p0 $0x1BF5;
	p2 =	por !p2, p0  }
0x20: {  	[sflag:s8] =	ssyncset.s32 @!p0 $0xFFFFF086;
	s6 =	sadd.s32 @!p0 s3, s7;
	s7 =	simm.s32 @!p0 $0x108  }
0x21: {  	s3 =	sadd.s32 s3, s9;
	s6 =	sadd.s32 @!p0 $0x88, s6;
	s7 =	simm.s32 @p2 $0x1082  }
0x22: {  	[simem:s7], [sflag:s8] =	dma.local @!p0 [hbm:s6], $0xF7A  }
0x23: {  	s9 =	sor.u32 $0xD0000000, s2;
	s6 =	simm.s32 $0x108;
	_ =	swait.ge @!p0 [sflag:s8], $0x0  }
0x24: {  	s3 =	sadd.s32 $0x88, s3;
	s6 =	simm.s32 @!p1 $0x1082;
	[sflag:s4] =	ssyncset.s32 $0xFFFFF086  }
0x25: {  	[simem:s6], [sflag:s4] =	dma.local [hbm:s3], $0xF7A  }
0x26: {  	[smem:$0x3F9D] =	sst s1;
	(tag) =	ssettag s2;
	_ =	strace s9  }
0x27: {  	s1 =	sld [smem:$0x3FAD]  }
0x28: {  	s2 =	sld [smem:$0x3FAE]  }
0x29: {  	s4 =	sld [smem:$0x3FB0]  }
0x2a: {  	p0 =	seq.s32 s5, $0x0;
	s5 =	sld [smem:$0x3FB1]  }
0x2b: {  	s6 =	sld [smem:$0x3FB2]  }
0x2c: {  	s7 =	sld [smem:$0x3FB3]  }
0x2d: {  	s3 =	simm.s32 $0x108;
	s8 =	sld [smem:$0x3FB4]  }
0x2e: {  	s3 =	simm.s32 @!p0 $0x1082;
	s9 =	sld [smem:$0x3FB5]  }
0x2f: {  	lr =	sadd.s32 s0, s3;
	s0 =	sld [smem:$0x3FAC]  }
0x30: {  	s3 =	sld [smem:$0x3FAF]  }
0x31: {  	[smem:$0x3FB8] =	sst s10  }
0x32: {  	s10 =	sld [smem:$0x3FB6];
	_ =	sdelay $0x3  }
0x33: {  	p0 =	seq.s32 s10, $0x1;
	s10 =	sld [smem:$0x3FB8];
	_ =	sdelay $0x3  }
0x34: {  	[smem:$0x3FB8] =	sst s10  }
0x35: {  	s10 =	sld [smem:$0x3FB7];
	_ =	sdelay $0x3  }
0x36: {  	p1 =	seq.s32 s10, $0x1;
	s10 =	sld [smem:$0x3FB8];
	_ =	sdelay $0x3  }
0x37: {  	[smem:$0x3FB8] =	sst s10  }
0x38: {  	s10 =	sld [smem:$0x3FB9]  }
0x39: {  	_ = 	snop;
	(pc) =	sbr.ind lr, $3  }
0x3a: {  	_ = 	snop  }
0x3b: {  	_ = 	snop  }
0x3c: {  	p2 =	seq.s32 s10, $0x1;
	s10 =	sld [smem:$0x3FB8]  }
0x3d: {  	_ =	shalt  }
0x3e: {  	_ =	shalt  }
0x3f: {  	_ =	shalt  }
0x40: {  	_ =	shalt  }
0x41: {  	_ =	shalt  }
0x42: {  	_ =	shalt  }
0x43: {  	_ =	shalt  }
0x44: {  	_ =	shalt  }
0x45: {  	_ =	shalt  }
0x46: {  	_ =	shalt  }
0x47: {  	_ =	shalt  }
0x48: {  	_ =	shalt  }
0x49: {  	_ =	shalt  }
0x4a: {  	_ =	shalt  }
0x4b: {  	_ =	shalt  }
0x4c: {  	_ =	shalt  }
0x4d: {  	_ =	shalt  }
0x4e: {  	_ =	shalt  }
0x4f: {  	_ =	shalt  }
0x50: {  	_ =	shalt  }
0x51: {  	_ =	shalt  }
0x52: {  	_ =	shalt  }
0x53: {  	_ =	shalt  }
0x54: {  	_ =	shalt  }
0x55: {  	_ =	shalt  }
0x56: {  	_ =	shalt  }
0x57: {  	_ =	shalt  }
0x58: {  	_ =	shalt  }
0x59: {  	_ =	shalt  }
0x5a: {  	_ =	shalt  }
0x5b: {  	_ =	shalt  }
0x5c: {  	_ =	shalt  }
0x5d: {  	_ =	shalt  }
0x5e: {  	_ =	shalt  }
0x5f: {  	_ =	shalt  }
0x60: {  	_ =	shalt  }
0x61: {  	_ =	shalt  }
0x62: {  	_ =	shalt  }
0x63: {  	_ =	shalt  }
0x64: {  	_ =	shalt  }
0x65: {  	_ =	shalt  }
0x66: {  	_ =	shalt  }
0x67: {  	_ =	shalt  }
0x68: {  	_ =	shalt  }
0x69: {  	_ =	shalt  }
0x6a: {  	_ =	shalt  }
0x6b: {  	_ =	shalt  }
0x6c: {  	_ =	shalt  }
0x6d: {  	_ =	shalt  }
0x6e: {  	_ =	shalt  }
0x6f: {  	_ =	shalt  }
0x70: {  	_ =	shalt  }
0x71: {  	_ =	shalt  }
0x72: {  	_ =	shalt  }
0x73: {  	_ =	shalt  }
0x74: {  	_ =	shalt  }
0x75: {  	_ =	shalt  }
0x76: {  	_ =	shalt  }
0x77: {  	_ =	shalt  }
0x78: {  	_ =	shalt  }
0x79: {  	_ =	shalt  }
0x7a: {  	_ =	shalt  }
0x7b: {  	_ =	shalt  }
0x7c: {  	_ =	shalt  }
0x7d: {  	_ =	shalt  }
0x7e: {  	_ =	shalt  }
0x7f: {  	_ =	shalt  }
0x80: {  	_ =	shalt  }
0x81: {  	_ =	shalt  }
0x82: {  	_ =	shalt  }
0x83: {  	_ =	shalt  }
0x84: {  	_ =	shalt  }
0x85: {  	_ =	shalt  }
0x86: {  	_ =	shalt  }
0x87: {  	_ =	shalt  }
.Lfunc_end0:
.L_simem_size_0:
called_computation.1_lowered:
.L_overlay_start_0:
0x88: {  	s2 =	sld [smem:$0x3FD9]  }
0x89: {  	s3 =	sld [smem:$0x3FFE];
	_ =	sdelay $0x1  }
0x8a: {  	s1 =	srdreg.scid  }
0x8b: {  	s0 =	sand.u32 $0x1, s1  }
0x8c: {  	s16 =	sshll.u32 s0, $0xA;
	s2 =	sadd.s32 s3, s2  }
0x8d: {  	s2 =	sadd.s32 s2, s16  }
0x8e: {  	[smem:$0x3FC4] =	sst s2  }
0x8f: {  	_ = 	snop  }
0x90: {  	(tm) =	ssettm $0x1  }
0x91: {  	s17 =	sld [smem:$0x3FFB];
	_ =	sdelay $0x3  }
0x92: {  	_ =	strace s17  }
0x93: {  	s2 =	sld [smem:$0x3FFC];
	_ =	sdelay $0x3  }
0x94: {  	_ =	strace s2  }
0x95: {  	s2 =	sld [smem:$0x3FFD];
	_ =	sdelay $0x3  }
0x96: {  	_ =	strace s2  }
0x97: {  	_ =	strace $0x8FFFFFFF  }
0x98: {  	s18 =	sld [smem:$0x3FDB];
	_ =	sdelay $0x1  }
0x99: {  	s19 =	simm.s32 $_scs_section_size  }
0x9a: {  	s4 =	simm.s32 $_size__tile_overlayer_lowered;
	s5 =	simm.s32 $_tile_overlayer_lowered  }
0x9b: {  	s22 =	simm.s32 $0x1BFF;
	s21 =	sshll.u32 s5, $0x1;
	s2 =	sadd.s32 s19, s18  }
0x9c: {  	s6 =	simm.s32 $0x0;
	s20 =	sshll.u32 s4, $0x1;
	s4 =	sadd.s32 s21, s2  }
0x9d: {  	[timem:s6], [sflag:s22] =	dma.local [hbm:s4], s20  }
0x9e: {  	_ =	swait.ge [sflag:s22], s20  }
0x9f: {  	s3 =	ssub.s32 $0x0, s20;
	[sflag:s22] =	ssyncset.done $0x0  }
0xa0: {  	[sflag:s22] =	ssyncadd.s32 s3;
	_ =	sdelay $0x1  }
0xa1: {  	s23 =	simm.s32 $0x1B8B  }
0xa2: {  	_ =	swait.ge [sflag:s23], $0x1  }
0xa3: {  	[sflag:s23] =	ssyncset.done $0x0  }
0xa4: {  	s25 =	simm.s32 $0x1B8E;
	s24 =	sld [smem:$0x3FFE];
	[sflag:s23] =	ssyncadd.s32 $0xFFFFFFFF  }
0xa5: {  	s26 =	simm.s32 $execute0_lowered;
	[smem:$0x3FD2] =	sst s25  }
0xa6: {  	s4 =	sshll.u32 s26, $0x1;
	_ =	strace $0x80000049;
	[dreg:$0x1] =	wrdreg $0xFFFFFFFF  }
0xa7: {  	s28 =	simm.s32 $_size_execute0_lowered;
	s2 =	sadd.s32 s2, s4;
	[dreg:$0x0] =	wrdreg $0x0  }
0xa8: {  	s4 =	sshll.u32 s28, $0x1;
	[dreg:$0x2] =	wrdreg s2  }
0xa9: {  	[dreg:$0x3] =	wrdreg s4  }
0xaa: {  	[dreg:$0x4] =	wrdreg $0xC0  }
0xab: {  	_ =	task [dreg:s6], $0x5FFFF  }
0xac: {  	[dreg:$0x1] =	wrdreg $0xFFFFFFFF  }
0xad: {  	[dreg:$0x0] =	wrdreg $0x60  }
0xae: {  	[dreg:$0x2] =	wrdreg s24  }
0xaf: {  	[dreg:$0x3] =	wrdreg $0xA0000  }
0xb0: {  	[dreg:$0x4] =	wrdreg $0x9  }
0xb1: {  	_ =	task.clear_ibuf [dreg:s6], $0x5FFFF;
	_ =	strace $0x90000049  }
0xb2: {  	s29 =	simm.s32 $0x9;
	_ =	strace $0x8000004B  }
0xb3: {  	_ =	swait.ge [sflag:s29], $0x1  }
0xb4: {  	[sflag:s29] =	ssyncadd.s32 $0xFFFFFFFF  }
0xb5: {  	_ =	strace $0x9000004B  }
0xb6: {  	_ =	sfence  }
0xb7: {  	s30 =	sld [smem:$0x0];
	_ =	sdelay $0x2  }
0xb8: {  	s31 =	sshll.u32 s1, $0xD;
	s1 =	sshrl.u32 s1, $0x2  }
0xb9: {  	s3 =	sand.u32 $0x4000, s31;
	s1 =	sadd.s32 s1, s30  }
0xba: {  	s0 =	sor.u32 s3, s0;
	s1 =	sshll.u32 s1, $0x11  }
0xbb: {  	s0 =	sor.u32 s1, s0  }
0xbc: {  	s0 =	sadd.s32 $0x8F2B, s0  }
0xbd: {  	[sflag:s0] =	ssyncadd.remote.s32 $0x1  }
0xbe: {  	_ =	sfence.sel $0xFFFF  }
0xbf: {  	[dreg:$0x0] =	wrdreg $0xFFFFFFFF;
	(pc) =	sbr.abs _section_cstart, $3  }
0xc0: {  	[dreg:$0x1] =	wrdreg $0xFFFFFFFF  }
0xc1: {  	_ =	task.clear_ibuf [dreg:s6], $0x2FFFF;
	_ =	strace $0x9FFFFFFF  }
0xc2: {  	(tm) =	ssettm $0x7FFFFFFF  }
0xc3: {  	_ =	shalt  }
tec
execute0_lowered:
.L_overlay_start_1:
0x0: {  	(tag) =	ssettag $0x1  }
0x1: {  	s0 =	rddreg [dreg:$0x0]  }
0x2: {  	s1 =	rddreg [dreg:$0x1];
	s3 =	simm.s32 $0x0  }
0x3: {  	s13 =	stileid.u32;
	s6 =	srdreg.scid;
	s15 =	simm.s32 $0x6  }
0x4: {  	s17 =	simm.s32 $0x80;
	s18 =	simm.s32 $0x2000;
	s28 =	simm.s32 $0x4  }
0x5: {  	s29 =	simm.s32 $0x3;
	[smem:$0x7FF] =	sst s3;
	s2 =	smul.u32 $0x2780, s13  }
0x6: {  	s4 =	sadd.s32 $0x1F600, s0;
	s5 =	sadd.s32 $0x15600, s0;
	s8 =	smul.u32 $0x5000, s13  }
0x7: {  	s7 =	sand.u32 $0x1, s6;
	s6 =	sadd.s32 $0x1800, s0;
	s10 =	smul.u32 $0x4F000, s13  }
0x8: {  	s31 =	sshll.u32 s13, $0x6;
	_ =	strace $0x8000004A;
	s9 =	ssub.s32 $0x2, s7  }
0x9: {  	p0 =	sne.s32 s7, $0x0;
	s19 =	sor.u32 $0x1C06, s31;
	s0 =	sadd.s32 s2, s0  }
0xa: {  	s20 =	sshrl.u32 s9, $0x1;
	s11 =	sshrl.u32 s8, $0x3;
	s22 =	sshrl.u32 s10, $0x2  }
0xb: {  	s2 =	ssub.s32 s9, s20;
	s21 =	sadd.s32 s5, s11;
	s23 =	sadd.s32 s6, s11  }
0xc: {  	s24 =	sadd.s32 s22, s1;
	s9 =	sor.u32 $0x800, s8;
	[dreg:$0x3] =	wrdreg s21  }
0xd: {  	s25 =	sadd.s32 $0x46E00, s0;
	s0 =	sadd.s32 $0x6E600, s0;
	[dreg:$0x4] =	wrdreg s23  }
.Ltmp0:
0xe: {  	s22 =	simm.s32 $0x6000;
	[dreg:$0x5] =	wrdreg s25;
	(pc) =	sbr.rel .LBB2_1-.Ltmp0, $4  }
0xf: {  	[dreg:$0x6] =	wrdreg s0;
	s26 =	sshrl.u32 s9, $0x3;
	s12 =	smax.u32 s2, $0x1  }
0x10: {  	s20 =	sshrl.u32 s24, $0x3;
	s23 =	simm.s32 $0x2;
	s30 =	sadd.s32 s5, s26  }
0x11: {  	s21 =	simm.s32 $0x0;
	s0 =	sadd.s32 s6, s26;
	[dreg:$0x7] =	wrdreg s30  }
0x12: {  	s26 =	simm.s32 $0x1;
	[dreg:$0x8] =	wrdreg s0;
	s0 =	simm.s32 $0x5  }
.LBB2_7:
0x13: {  	[bflag:$0x0] =	sbarrier.arrive $0xFFFF  }
0x14: {  	[bflag:$0x0] =	sbarrier.arrive $0xFFFF  }
.LBB2_5:
0x15: {  	s21 =	sadd.s32 $0x1, s21  }
0x16: {  	p1 =	sne.s32 s21, s12  }
.Ltmp1:
0x17: {  	_ = 	snop;
	(pc) =	sbr.rel @!p1 .LBB2_6-.Ltmp1, $1  }
0x18: {  	_ =	sdelay $0x3  }
.LBB2_1:
.Ltmp2:
0x19: {  	(pc) =	sbr.rel @p0 .LBB2_7-.Ltmp2, $1  }
0x1a: {  	_ =	sdelay $0x3  }
0x1b: {  	s2 =	rddreg [dreg:$0x3]  }
0x1c: {  	[tilespmem:s3], [sflag:$0x6] =	stream.linear.gather [hbm4b:s2+s3], $0x800, $0x38;
	[tilespmem:$0x1DC00] =	vst v63  }
0x1d: {  	_ =	swait.ge [sflag:s15], $0x800  }
0x1e: {  	[sflag:s15] =	ssyncset.done $0x0  }
0x1f: {  	s8 =	simm.s32 $0x1000;
	s13 =	rddreg [dreg:$0x4];
	[sflag:s15] =	ssyncadd.s32 $0xFFFFF800  }
0x20: {  	[tilespmem:s8], [sflag:$0x6] =	stream.linear.gather [hbm4b:s13+s3], $0x800, $0x38;
	[tilespmem:$0x1DC00] =	vst v63  }
0x21: {  	_ =	swait.ge [sflag:s15], $0x800  }
0x22: {  	[sflag:s15] =	ssyncset.done $0x0  }
0x23: {  	s14 =	rddreg [dreg:$0x5];
	[sflag:s15] =	ssyncadd.s32 $0xFFFFF800  }
0x24: {  	[tilespmem:s18], [sflag:$0x1] =	stream.indirect.gather [hbm4b:s4+s17], $0x80, s3, s17, $0xb8;
	[tilespmem:$0x1DC00] =	vst v63  }
0x25: {  	[spmem:s20], [sflag:s19] =	dma.local [hbm:s14], $0x2780  }
0x26: {  	_ =	swait.ge [sflag:s15], $0x2780  }
0x27: {  	[sflag:s15] =	ssyncset.done $0x0  }
0x28: {  	[sflag:s15] =	ssyncadd.s32 $0xFFFFD880  }
0x29: {  	[bflag:$0x0] =	sbarrier.arrive $0xFFFF  }
0x2a: {  	s2 =	simm.s32 $0x800;
	s7 =	rddreg [dreg:$0x7]  }
0x2b: {  	[tilespmem:s2], [sflag:$0x5] =	stream.linear.gather [hbm4b:s7+s3], $0x800, $0x38;
	[tilespmem:$0x1DC00] =	vst v63  }
0x2c: {  	s10 =	simm.s32 $0x1800;
	s24 =	simm.s32 $0x1;
	s16 =	rddreg [dreg:$0x8]  }
0x2d: {  	[tilespmem:s10], [sflag:$0x5] =	stream.linear.gather [hbm4b:s16+s3], $0x800, $0x38;
	[tilespmem:$0x1DC00] =	vst v63  }
0x2e: {  	_ =	swait.ge [sflag:s24], $0x4000  }
0x2f: {  	[sflag:s24] =	ssyncset.done $0x0  }
0x30: {  	[sflag:s24] =	ssyncadd.s32 $0xFFFFC000  }
0x31: {  	[spmem:s1] =	stream.indirect.scatter.add.f32 [tilespmem:s18], [sflag:$0x3], $0x80, s8, s17, $0xb8;
	[tilespmem:$0x1DC00] =	vst v63  }
0x32: {  	_ = 	snop  }
0x33: {  	[tilespmem:s22], [sflag:$0x2] =	stream.indirect.gather [hbm4b:s4+s17], $0x80, s17, s17, $0xb8;
	[tilespmem:$0x1DC00] =	vst v63  }
0x34: {  	_ =	swait.ge [sflag:s23], $0x4000  }
0x35: {  	[sflag:s23] =	ssyncset.done $0x0  }
0x36: {  	s25 =	simm.s32 $0x1080;
	s31 =	simm.s32 $0x3;
	[sflag:s23] =	ssyncadd.s32 $0xFFFFC000  }
0x37: {  	[spmem:s1] =	stream.indirect.scatter.add.f32 [tilespmem:s22], [sflag:$0x4], $0x80, s25, s17, $0xb8;
	[tilespmem:$0x1DC00] =	vst v63  }
0x38: {  	_ =	swait.ge [sflag:s31], $0x4000  }
0x39: {  	s11 =	simm.s32 $0x2;
	[sflag:s31] =	ssyncset.done $0x0  }
0x3a: {  	s10 =	simm.s32 $0x100;
	s8 =	sand.u32 $0xE, s11;
	[sflag:s31] =	ssyncadd.s32 $0xFFFFC000  }
0x3b: {  	[tilespmem:s18], [sflag:$0x1] =	stream.indirect.gather [hbm4b:s4+s17], $0x80, s10, s17, $0xb8;
	[tilespmem:$0x1DC00] =	vst v63  }
0x3c: {  	p1 =	sne.s32 s8, $0x0;
	s10 =	simm.s32 $0x0  }
0x3d: {  	s11 =	smin.u32 @!p1 s10, $0x8  }
0x3e: {  	s11 =	sshll.u32 @!p1 s11, $0xB  }
0x3f: {  	s10 =	sand.u32 $0x1, s10;
	s11 =	sadd.s32 @!p1 s11, s9  }
0x40: {  	s16 =	sshll.u32 @!p1 s10, $0xB;
	s11 =	sshrl.u32 @!p1 s11, $0x3  }
0x41: {  	s30 =	simm.s32 @!p1 $0x0;
	s25 =	sxor.u32 @!p1 $0x800, s16;
	s24 =	sadd.s32 @!p1 s5, s11  }
0x42: {  	[tilespmem:s25], [sflag:$0x5] =	stream.linear.gather @!p1 [hbm4b:s24+s30], $0x800, $0x38;
	[tilespmem:$0x1DC00] =	vst v63  }
0x43: {  	s16 =	sxor.u32 @!p1 $0x1800, s16;
	s11 =	sadd.s32 @!p1 s6, s11  }
0x44: {  	[tilespmem:s16], [sflag:$0x5] =	stream.linear.gather @!p1 [hbm4b:s11+s30], $0x800, $0x38;
	[tilespmem:$0x1DC00] =	vst v63  }
0x45: {  	s8 =	sshll.u32 s8, $0x7;
	s10 =	sshll.u32 s10, $0xB;
	_ =	swait.ge [sflag:s26], $0x4000  }
0x46: {  	s13 =	simm.s32 $0x600;
	s8 =	sor.u32 s8, s10;
	[sflag:s26] =	ssyncset.done $0x0  }
0x47: {  	s14 =	simm.s32 $0x400;
	s8 =	sor.u32 $0x1000, s8;
	[sflag:s26] =	ssyncadd.s32 $0xFFFFC000  }
0x48: {  	[spmem:s1] =	stream.indirect.scatter.add.f32 [tilespmem:s18], [sflag:$0x3], $0x80, s8, s17, $0xb8;
	[tilespmem:$0x1DC00] =	vst v63  }
0x49: {  	s7 =	sand.u32 $0xF, s31;
	s2 =	sand.u32 $0x3C00, s2;
	_ =	swait.ge [sflag:s28], $0x4000  }
0x4a: {  	p2 =	sne.s32 s7, $0xF;
	s8 =	sand.u32 $0x3E00, s13;
	[sflag:s28] =	ssyncset.done $0x0  }
0x4b: {  	s10 =	sand.u32 $0x2000, s14;
	s8 =	sshrl.u32 s8, $0x2;
	[sflag:s28] =	ssyncadd.s32 $0xFFFFC000  }
0x4c: {  	[tilespmem:s22], [sflag:$0x2] =	stream.indirect.gather [hbm4b:s4+s17], $0x80, s8, s17, $0xb8;
	[tilespmem:$0x1DC00] =	vst v63  }
0x4d: {  	s7 =	sshll.u32 s7, $0x7;
	s10 =	sshrl.u32 s10, $0x2;
	s8 =	simm.s32 @!p2 $0x5  }
0x4e: {  	s7 =	sor.u32 s7, s10;
	s25 =	simm.s32 $0x5;
	_ =	swait.ge @!p2 [sflag:s8], $0x800  }
0x4f: {  	s24 =	simm.s32 $0xC00;
	s16 =	simm.s32 $0x4;
	[sflag:s8] =	ssyncset.done @!p2 $0x0  }
0x50: {  	s10 =	sor.u32 $0x1000, s7;
	s31 =	sand.u32 $0xE, s16;
	[sflag:s8] =	ssyncadd.s32 @!p2 $0xFFFFF800  }
0x51: {  	s30 =	simm.s32 $0x3;
	p1 =	sne.s32 s31, $0x0;
	_ =	swait.ge @!p2 [sflag:s8], $0x800  }
0x52: {  	s16 =	sshll.u32 s31, $0x7;
	s13 =	simm.s32 $0x0;
	[sflag:s8] =	ssyncset.done @!p2 $0x0  }
0x53: {  	s7 =	sand.u32 $0x1, s13;
	s11 =	smin.u32 @!p1 s13, $0x8;
	[sflag:s8] =	ssyncadd.s32 @!p2 $0xFFFFF800  }
0x54: {  	s11 =	sshll.u32 @!p1 s11, $0xB;
	s8 =	sshll.u32 @!p1 s7, $0xB;
	_ =	swait.ge [sflag:s23], $0x4000  }
.LBB2_3:
0x55: {  	s11 =	sadd.s32 @!p1 s11, s9  }
0x56: {  	s13 =	sshll.u32 s7, $0xB;
	[sflag:s23] =	ssyncset.done $0x0;
	s7 =	smov.u32 s30  }
0x57: {  	s11 =	sshrl.u32 @!p1 s11, $0x3;
	s13 =	sor.u32 s16, s13;
	[sflag:s23] =	ssyncadd.s32 $0xFFFFC000  }
0x58: {  	[spmem:s1] =	stream.indirect.scatter.add.f32 [tilespmem:s22], [sflag:$0x4], $0x80, s10, s17, $0xb8;
	[tilespmem:$0x1DC00] =	vst v63  }
0x59: {  	s10 =	sadd.s32 @!p1 s5, s11;
	s11 =	sadd.s32 @!p1 s6, s11;
	_ =	swait.ge [sflag:s29], $0x4000  }
0x5a: {  	s30 =	sadd.s32 $0x1, s30;
	s16 =	sand.u32 $0x3C00, s24;
	[sflag:s29] =	ssyncset.done $0x0  }
0x5b: {  	s2 =	sshrl.u32 s2, $0x2;
	p2 =	seq.s32 s30, $0x4F;
	[sflag:s29] =	ssyncadd.s32 $0xFFFFC000  }
0x5c: {  	[tilespmem:s18], [sflag:$0x1] =	stream.indirect.gather [hbm4b:s4+s17], $0x80, s2, s17, $0xb8;
	[tilespmem:$0x1DC00] =	vst v63  }
0x5d: {  	s14 =	sxor.u32 @!p1 $0x800, s8;
	s31 =	simm.s32 @!p1 $0x0;
	s2 =	smov.u32 s16  }
0x5e: {  	[tilespmem:s14], [sflag:$0x5] =	stream.linear.gather @!p1 [hbm4b:s10+s31], $0x800, $0x38;
	[tilespmem:$0x1DC00] =	vst v63  }
0x5f: {  	s8 =	sxor.u32 @!p1 $0x1800, s8  }
0x60: {  	[tilespmem:s8], [sflag:$0x5] =	stream.linear.gather @!p1 [hbm4b:s11+s31], $0x800, $0x38;
	[tilespmem:$0x1DC00] =	vst v63  }
0x61: {  	_ =	swait.ge [sflag:s26], $0x4000  }
0x62: {  	[sflag:s26] =	ssyncset.done $0x0  }
0x63: {  	s10 =	sand.u32 $0xF, s25;
	s8 =	sor.u32 $0x1000, s13;
	[sflag:s26] =	ssyncadd.s32 $0xFFFFC000  }
0x64: {  	[spmem:s1] =	stream.indirect.scatter.add.f32 [tilespmem:s18], [sflag:$0x3], $0x80, s8, s17, $0xb8;
	[tilespmem:$0x1DC00] =	vst v63  }
0x65: {  	s11 =	sadd.s32 $0xFFFFFC00, s24;
	s8 =	sadd.s32 $0xFFFFFE00, s24;
	_ =	swait.ge [sflag:s28], $0x4000  }
0x66: {  	s11 =	sand.u32 $0x2000, s11;
	s8 =	sand.u32 $0x3E00, s8;
	[sflag:s28] =	ssyncset.done $0x0  }
0x67: {  	p3 =	sne.s32 s10, $0xF;
	s8 =	sshrl.u32 s8, $0x2;
	[sflag:s28] =	ssyncadd.s32 $0xFFFFC000  }
0x68: {  	[tilespmem:s22], [sflag:$0x2] =	stream.indirect.gather [hbm4b:s4+s17], $0x80, s8, s17, $0xb8;
	[tilespmem:$0x1DC00] =	vst v63  }
0x69: {  	s10 =	sshll.u32 s10, $0x7;
	s11 =	sshrl.u32 s11, $0x2;
	s8 =	simm.s32 @!p3 $0x5  }
0x6a: {  	s25 =	sadd.s32 $0x2, s25;
	s10 =	sor.u32 s10, s11;
	_ =	swait.ge @!p3 [sflag:s8], $0x800  }
0x6b: {  	s11 =	sadd.s32 $0xFFFFFFFF, s25;
	s24 =	sadd.s32 $0x400, s24;
	[sflag:s8] =	ssyncset.done @!p3 $0x0  }
.Ltmp3:
0x6c: {  	s10 =	sor.u32 $0x1000, s10;
	[sflag:s8] =	ssyncadd.s32 @!p3 $0xFFFFF800;
	(pc) =	sbr.rel @!p2 .LBB2_3-.Ltmp3, $4  }
0x6d: {  	s13 =	sshrl.u32 s7, $0x3;
	s7 =	sand.u32 $0xE, s11;
	_ =	swait.ge @!p3 [sflag:s8], $0x800  }
0x6e: {  	p1 =	sne.s32 s7, $0x0;
	s16 =	sshll.u32 s7, $0x7;
	[sflag:s8] =	ssyncset.done @!p3 $0x0  }
0x6f: {  	s7 =	sand.u32 $0x1, s13;
	s11 =	smin.u32 @!p1 s13, $0x8;
	[sflag:s8] =	ssyncadd.s32 @!p3 $0xFFFFF800  }
0x70: {  	s11 =	sshll.u32 @!p1 s11, $0xB;
	s8 =	sshll.u32 @!p1 s7, $0xB;
	_ =	swait.ge [sflag:s23], $0x4000  }
0x71: {  	[sflag:s23] =	ssyncset.done $0x0  }
0x72: {  	[sflag:s23] =	ssyncadd.s32 $0xFFFFC000  }
0x73: {  	[spmem:s1] =	stream.indirect.scatter.add.f32 [tilespmem:s22], [sflag:$0x4], $0x80, s10, s17, $0xb8;
	[tilespmem:$0x1DC00] =	vst v63  }
0x74: {  	_ =	swait.ge [sflag:s29], $0x4000  }
0x75: {  	s10 =	sadd.s32 @!p1 s11, s9;
	[sflag:s29] =	ssyncset.done $0x0  }
0x76: {  	s2 =	sshrl.u32 s2, $0x2;
	s10 =	sshrl.u32 @!p1 s10, $0x3;
	[sflag:s29] =	ssyncadd.s32 $0xFFFFC000  }
0x77: {  	[tilespmem:s18], [sflag:$0x1] =	stream.indirect.gather [hbm4b:s4+s17], $0x80, s2, s17, $0xb8;
	[tilespmem:$0x1DC00] =	vst v63  }
0x78: {  	s13 =	simm.s32 @!p1 $0x0;
	s11 =	sxor.u32 @!p1 $0x800, s8;
	s2 =	sadd.s32 @!p1 s5, s10  }
0x79: {  	[tilespmem:s11], [sflag:$0x5] =	stream.linear.gather @!p1 [hbm4b:s2+s13], $0x800, $0x38;
	[tilespmem:$0x1DC00] =	vst v63  }
0x7a: {  	s8 =	sxor.u32 @!p1 $0x1800, s8;
	s2 =	sadd.s32 @!p1 s6, s10  }
0x7b: {  	[tilespmem:s8], [sflag:$0x5] =	stream.linear.gather @!p1 [hbm4b:s2+s13], $0x800, $0x38;
	[tilespmem:$0x1DC00] =	vst v63  }
0x7c: {  	s8 =	sshll.u32 s7, $0xB;
	_ =	swait.ge [sflag:s26], $0x4000  }
0x7d: {  	s2 =	sor.u32 s16, s8;
	[sflag:s26] =	ssyncset.done $0x0  }
0x7e: {  	s2 =	sor.u32 $0x1000, s2;
	[sflag:s26] =	ssyncadd.s32 $0xFFFFC000  }
0x7f: {  	[spmem:s1] =	stream.indirect.scatter.add.f32 [tilespmem:s18], [sflag:$0x3], $0x80, s2, s17, $0xb8;
	[tilespmem:$0x1DC00] =	vst v63  }
0x80: {  	s10 =	sadd.s32 $0xFFFFFE00, s24;
	_ =	swait.ge [sflag:s28], $0x4000  }
0x81: {  	s11 =	sand.u32 $0xF, s25;
	s2 =	sand.u32 $0x3E00, s10;
	[sflag:s28] =	ssyncset.done $0x0  }
0x82: {  	p1 =	sne.s32 s11, $0xF;
	s2 =	sshrl.u32 s2, $0x2;
	[sflag:s28] =	ssyncadd.s32 $0xFFFFC000  }
0x83: {  	[tilespmem:s22], [sflag:$0x2] =	stream.indirect.gather [hbm4b:s4+s17], $0x80, s2, s17, $0xb8;
	[tilespmem:$0x1DC00] =	vst v63  }
0x84: {  	s2 =	simm.s32 @!p1 $0x5  }
0x85: {  	_ =	swait.ge @!p1 [sflag:s2], $0x800  }
0x86: {  	[sflag:s2] =	ssyncset.done @!p1 $0x0  }
0x87: {  	[sflag:s2] =	ssyncadd.s32 @!p1 $0xFFFFF800  }
0x88: {  	_ =	swait.ge @!p1 [sflag:s2], $0x800  }
0x89: {  	s13 =	sadd.s32 $0xFFFFFC00, s24;
	[sflag:s2] =	ssyncset.done @!p1 $0x0  }
0x8a: {  	s8 =	sand.u32 $0x2000, s13;
	[sflag:s2] =	ssyncadd.s32 @!p1 $0xFFFFF800  }
0x8b: {  	s7 =	sshll.u32 s11, $0x7;
	s14 =	sshrl.u32 s8, $0x2;
	_ =	swait.ge [sflag:s23], $0x4000  }
0x8c: {  	s2 =	sor.u32 s7, s14;
	[sflag:s23] =	ssyncset.done $0x0  }
0x8d: {  	s2 =	sor.u32 $0x1000, s2;
	[sflag:s23] =	ssyncadd.s32 $0xFFFFC000  }
0x8e: {  	[spmem:s1] =	stream.indirect.scatter.add.f32 [tilespmem:s22], [sflag:$0x4], $0x80, s2, s17, $0xb8;
	[tilespmem:$0x1DC00] =	vst v63  }
0x8f: {  	_ =	swait.ge [sflag:s29], $0x4000  }
0x90: {  	s16 =	sand.u32 $0x3C00, s24;
	[sflag:s29] =	ssyncset.done $0x0  }
0x91: {  	s2 =	sshrl.u32 s16, $0x2;
	[sflag:s29] =	ssyncadd.s32 $0xFFFFC000  }
0x92: {  	[tilespmem:s18], [sflag:$0x1] =	stream.indirect.gather [hbm4b:s4+s17], $0x80, s2, s17, $0xb8;
	[tilespmem:$0x1DC00] =	vst v63  }
0x93: {  	_ =	swait.ge [sflag:s26], $0x4000  }
0x94: {  	[sflag:s26] =	ssyncset.done $0x0  }
0x95: {  	s24 =	simm.s32 $0x1F00;
	[sflag:s26] =	ssyncadd.s32 $0xFFFFC000  }
0x96: {  	[spmem:s1] =	stream.indirect.scatter.add.f32 [tilespmem:s18], [sflag:$0x3], $0x80, s24, s17, $0xb8;
	[tilespmem:$0x1DC00] =	vst v63  }
0x97: {  	_ =	swait.ge [sflag:s28], $0x4000  }
0x98: {  	[sflag:s28] =	ssyncset.done $0x0  }
0x99: {  	s25 =	simm.s32 $0xF80;
	[sflag:s28] =	ssyncadd.s32 $0xFFFFC000  }
0x9a: {  	[tilespmem:s22], [sflag:$0x2] =	stream.indirect.gather [hbm4b:s4+s17], $0x80, s25, s17, $0xb8;
	[tilespmem:$0x1DC00] =	vst v63  }
0x9b: {  	_ =	swait.ge [sflag:s0], $0x800  }
0x9c: {  	[sflag:s0] =	ssyncset.done $0x0  }
0x9d: {  	[sflag:s0] =	ssyncadd.s32 $0xFFFFF800  }
0x9e: {  	_ =	swait.ge [sflag:s0], $0x800  }
0x9f: {  	[sflag:s0] =	ssyncset.done $0x0  }
0xa0: {  	[sflag:s0] =	ssyncadd.s32 $0xFFFFF800  }
0xa1: {  	_ =	swait.ge [sflag:s23], $0x4000  }
0xa2: {  	[sflag:s23] =	ssyncset.done $0x0  }
0xa3: {  	s30 =	simm.s32 $0x1F80;
	[sflag:s23] =	ssyncadd.s32 $0xFFFFC000  }
0xa4: {  	[spmem:s1] =	stream.indirect.scatter.add.f32 [tilespmem:s22], [sflag:$0x4], $0x80, s30, s17, $0xb8;
	[tilespmem:$0x1DC00] =	vst v63  }
0xa5: {  	_ =	swait.ge [sflag:s29], $0x4000  }
0xa6: {  	[sflag:s29] =	ssyncset.done $0x0  }
0xa7: {  	[sflag:s29] =	ssyncadd.s32 $0xFFFFC000  }
0xa8: {  	[tilespmem:s18], [sflag:$0x1] =	stream.indirect.gather [hbm4b:s4+s17], $0x80, s25, s17, $0xb8;
	[tilespmem:$0x1DC00] =	vst v63  }
0xa9: {  	_ =	swait.ge [sflag:s28], $0x4000  }
0xaa: {  	[sflag:s28] =	ssyncset.done $0x0  }
0xab: {  	[sflag:s28] =	ssyncadd.s32 $0xFFFFC000  }
0xac: {  	_ =	swait.ge [sflag:s26], $0x4000  }
0xad: {  	[sflag:s26] =	ssyncset.done $0x0  }
0xae: {  	[sflag:s26] =	ssyncadd.s32 $0xFFFFC000  }
0xaf: {  	[bflag:$0x0] =	sbarrier.arrive $0xFFFF  }
.Ltmp4:
0xb0: {  	s31 =	rddreg [dreg:$0x6];
	(pc) =	sbr.rel .LBB2_5-.Ltmp4, $4  }
0xb1: {  	[hbm:s31], [sflag:s19] =	dma.local [spmem:s20], $0x2780  }
0xb2: {  	_ =	swait.ge [sflag:s15], $0x2780  }
0xb3: {  	[sflag:s15] =	ssyncset.done $0x0  }
0xb4: {  	[sflag:s15] =	ssyncadd.s32 $0xFFFFD880  }
.LBB2_6:
0xb5: {  	_ =	sfence.sel $0x180000  }
0xb6: {  	[bflag:$0x0] =	sbarrier.arrive $0xFFFF  }
0xb7: {  	_ =	strace $0x9000004A  }
0xb8: {  	s0 =	stileid.u32;
	[bflag:$0x2] =	sbarrier.arrive $0xFFFF  }
0xb9: {  	p0 =	sne.s32 s0, $0x0;
	s0 =	rddreg [dreg:$0x2]  }
0xba: {  	s0 =	sadd.s32 @!p0 $0x100000, s0  }
0xbb: {  	[sflag:s0] =	ssyncadd.tile.s32 @!p0 $0x1;
	_ =	shalt  }
.Lfunc_end2:
_tile_overlayer_lowered:
.L_overlay_start_2:
0xbc: {  	(tag) =	ssettag $0x2  }
0xbd: {  	s0 =	rddreg [dreg:$0x0];
	s2 =	stileid.u32  }
0xbe: {  	s1 =	rddreg [dreg:$0x1];
	p0 =	sne.s32 s2, $0x0  }
0xbf: {  	s3 =	rddreg [dreg:$0x2];
	[bflag:$0x3] =	sbarrier.arrive $0xFFFF;
	s2 =	simm.s32 @!p0 $0x1C06  }
0xc0: {  	[timem:s3], [sflag:s2] =	dma.local @!p0 [hbm:s0], s1  }
0xc1: {  	s0 =	simm.s32 @!p0 $0x6  }
0xc2: {  	_ =	swait.ge @!p0 [sflag:s0], s1  }
0xc3: {  	s1 =	ssub.s32 @!p0 $0x0, s1;
	[sflag:s0] =	ssyncset.done @!p0 $0x0  }
0xc4: {  	[sflag:s0] =	ssyncadd.s32 @!p0 s1  }
0xc5: {  	[bflag:$0x3] =	sbarrier.arrive $0xFFFF  }
0xc6: {  	_ =	shalt  }

</sc_bundles>
